<compile_context>
chip_gen: v7x
topology: tpu7x:2x2x1
jax: 0.10.2.dev20260603
libtpu: 0.0.44.dev20260713+nightly
codegen_flags: <defaults>
</compile_context>

<pallas_src>
import math

import numpy as np
import jax
import jax.numpy as jnp
from jax import lax
from jax.experimental import pallas as pl
from jax.experimental.pallas import tpu as pltpu
from jax.experimental.pallas import tpu_sc as plsc

D_MODEL = 768
MAXLEN = 2048
SCALE = float(np.float32(math.sqrt(float(D_MODEL))))

NUM_WORKERS = 32
CHUNK = 32
NBUF = 4
AHEAD = 2
SPLIT = 1
EPI_ROWS = 2048


def _pos_encoding_np(length: int, depth: int) -> np.ndarray:
    half = depth / 2
    positions = np.arange(length)[:, np.newaxis]
    depths = np.arange(half)[np.newaxis, :] / half
    angle_rates = 1 / 10000 ** (2 * depths)
    angle_rads = positions * angle_rates
    return np.concatenate(
        [np.sin(angle_rads), np.cos(angle_rads)], axis=-1
    ).astype(np.float32)


_POS = _pos_encoding_np(MAXLEN, D_MODEL)

_MESH = plsc.VectorSubcoreMesh(core_axis_name="c", subcore_axis_name="s")


def _sc_gather(table, idx_s, ns):
    per_w = ns // NUM_WORKERS
    n_chunks = per_w // CHUNK

    @pl.kernel(
        out_type=jax.ShapeDtypeStruct((ns, D_MODEL), jnp.float32),
        mesh=_MESH,
        scratch_types=[
            pltpu.VMEM((NBUF, CHUNK), jnp.int32),
            pltpu.VMEM((NBUF, CHUNK, D_MODEL), jnp.float32),
        ]
        + [pltpu.SemaphoreType.DMA] * (3 * NBUF),
    )
    def k(table_hbm, idx_hbm, out_hbm, idxc, rows_v, *sems):
        isem = sems[:NBUF]
        gsem = sems[NBUF:2 * NBUF]
        osem = sems[2 * NBUF:]
        wid = lax.axis_index("s") * 2 + lax.axis_index("c")
        base = wid * per_w

        def issue_idx(c):
            b = c % NBUF
            pltpu.async_copy(
                idx_hbm.at[pl.ds(base + c * CHUNK, CHUNK)],
                idxc.at[b], isem[b])

        def wait_idx(c):
            b = c % NBUF
            pltpu.make_async_copy(
                idx_hbm.at[pl.ds(base + c * CHUNK, CHUNK)],
                idxc.at[b], isem[b]).wait()

        def issue_gather(c):
            b = c % NBUF
            pltpu.async_copy(
                table_hbm.at[idxc.at[b]], rows_v.at[b], gsem[b])

        def wait_gather(c):
            b = c % NBUF
            pltpu.make_async_copy(
                table_hbm.at[idxc.at[b]], rows_v.at[b], gsem[b]).wait()

        def issue_out(c):
            b = c % NBUF
            pltpu.async_copy(
                rows_v.at[b],
                out_hbm.at[pl.ds(base + c * CHUNK, CHUNK)], osem[b])

        def wait_out(c):
            b = c % NBUF
            pltpu.make_async_copy(
                rows_v.at[b],
                out_hbm.at[pl.ds(base + c * CHUNK, CHUNK)], osem[b]).wait()

        for c in range(min(NBUF, n_chunks)):
            issue_idx(c)
        for c in range(min(AHEAD, n_chunks)):
            wait_idx(c)
            issue_gather(c)

        for c in range(n_chunks):
            nxt = c + AHEAD
            if nxt < n_chunks:
                wait_idx(nxt)
                if nxt >= NBUF:
                    wait_out(nxt - NBUF)
                issue_gather(nxt)

            wait_gather(c)
            if c + NBUF < n_chunks:
                issue_idx(c + NBUF)
            issue_out(c)

        for c in range(max(0, n_chunks - NBUF), n_chunks):
            wait_out(c)

    return k(table, idx_s)


def _tc_epilogue(g_s, pos, dest, s, ns, n):
    pos_blocks = MAXLEN // EPI_ROWS
    reps = ns // MAXLEN
    row0 = s * ns // EPI_ROWS

    def body(*refs):
        g_ref, p_ref, o_ref = refs[-3], refs[-2], refs[-1]
        o_ref[...] = g_ref[...] * SCALE + p_ref[...]

    in_specs = [
        pl.BlockSpec((EPI_ROWS, D_MODEL),
                     lambda j, r: (r * pos_blocks + j, 0)),
        pl.BlockSpec((EPI_ROWS, D_MODEL), lambda j, r: (j, 0)),
    ]
    operands = [g_s, pos]
    io_aliases = {}
    if dest is not None:
        in_specs = [pl.BlockSpec(memory_space=pl.ANY)] + in_specs
        operands = [dest] + operands
        io_aliases = {0: 0}

    return pl.pallas_call(
        body,
        grid=(pos_blocks, reps),
        in_specs=in_specs,
        out_specs=pl.BlockSpec((EPI_ROWS, D_MODEL),
                               lambda j, r: (row0 + r * pos_blocks + j, 0)),
        out_shape=jax.ShapeDtypeStruct((n, D_MODEL), jnp.float32),
        input_output_aliases=io_aliases,
    )(*operands)


def kernel(x, table):
    batch, length = x.shape
    n = batch * length
    ns = n // SPLIT
    idx = x.reshape(n).astype(jnp.int32)
    pos = jnp.asarray(_POS[:length])

    @jax.jit
    def run(table, idx, pos):
        gathered = [
            _sc_gather(table, idx[s * ns:(s + 1) * ns], ns)
            for s in range(SPLIT)
        ]
        out = None
        for s in range(SPLIT):
            out = _tc_epilogue(gathered[s], pos, out, s, ns, n)
        return out

    return run(table, idx, pos).reshape(batch, length, D_MODEL)

# --- scband reference (transcript-rebuilt; emitter-appended) ---
"""Pipeline reference for scband-positional-embeddings-46256797778297 (READ-ONLY COPY).

The authoritative reference and input builder live on the scoring server;
editing this copy changes nothing except your own understanding.
"""

import jax, jax.numpy as jnp
import numpy as np

VOCAB = 100000
D_MODEL = 768
MAXLEN = 2048


def positional_encoding(length, depth):
    depth = depth / 2
    positions = np.arange(length)[:, np.newaxis]
    depths = np.arange(depth)[np.newaxis, :] / depth
    angle_rates = 1 / 10000 ** (2 * depths)
    angle_rads = positions * angle_rates
    encodings = np.concatenate([np.sin(angle_rads), np.cos(angle_rads)], axis=-1)
    return jnp.asarray(encodings, dtype=jnp.float32)


def setup_inputs(seed: int = 0) -> dict:
    key = jax.random.key(seed)
    k1, k2 = jax.random.split(key)
    x = jax.random.randint(k1, (4, 2048), 0, VOCAB)
    table = jax.random.normal(k2, (VOCAB, D_MODEL), dtype=jnp.float32) * 0.02
    return {"x": x, "table": table}


def reference(x, table):
    pos = positional_encoding(MAXLEN, D_MODEL)
    length = x.shape[1]
    emb = jnp.take(table, x, axis=0)
    emb = emb * jnp.sqrt(jnp.asarray(D_MODEL, dtype=jnp.float32))
    out = emb + pos[jnp.newaxis, :length, :]
    return out

if __name__ == "__main__":
    import jax
    _d = setup_inputs()
    print(jax.jit(kernel)(*tuple(_d.values())))

</pallas_src>

<mosaic_0001>
#map = affine_map<(d0, d1) -> (0, 0)>
#map1 = affine_map<(d0, d1) -> (0)>
module attributes {stable_mosaic.version = 14 : i64} {
  func.func @k(%arg0: i32, %arg1: i32, %arg2: memref<100000x768xf32, #tpu.memory_space<hbm>>, %arg3: memref<8192xi32, #tpu.memory_space<hbm>>, %arg4: memref<8192x768xf32, #tpu.memory_space<hbm>>, %arg5: memref<4x32xi32, #tpu.memory_space<vmem>>, %arg6: memref<4x32x768xf32, #tpu.memory_space<vmem>>, %arg7: memref<!tpu.dma_semaphore, #tpu.memory_space<semaphore_mem>>, %arg8: memref<!tpu.dma_semaphore, #tpu.memory_space<semaphore_mem>>, %arg9: memref<!tpu.dma_semaphore, #tpu.memory_space<semaphore_mem>>, %arg10: memref<!tpu.dma_semaphore, #tpu.memory_space<semaphore_mem>>, %arg11: memref<!tpu.dma_semaphore, #tpu.memory_space<semaphore_mem>>, %arg12: memref<!tpu.dma_semaphore, #tpu.memory_space<semaphore_mem>>, %arg13: memref<!tpu.dma_semaphore, #tpu.memory_space<semaphore_mem>>, %arg14: memref<!tpu.dma_semaphore, #tpu.memory_space<semaphore_mem>>, %arg15: memref<!tpu.dma_semaphore, #tpu.memory_space<semaphore_mem>>, %arg16: memref<!tpu.dma_semaphore, #tpu.memory_space<semaphore_mem>>, %arg17: memref<!tpu.dma_semaphore, #tpu.memory_space<semaphore_mem>>, %arg18: memref<!tpu.dma_semaphore, #tpu.memory_space<semaphore_mem>>) attributes {dimension_semantics = [#tpu.dimension_semantics<core_parallel>, #tpu.dimension_semantics<subcore_parallel>], iteration_bounds = array<i64: 2, 16>, scalar_prefetch = 0 : i64, scratch_operands = 14 : i64, tpu.core_type = #tpu.core_type<sc_vector_subcore>, window_params = [{transform_indices = #map}, {transform_indices = #map1}, {transform_indices = #map}]} {
    %mul3A = arith.constant 2 : i32
    %mul3A_0 = arith.muli %arg1, %mul3A : i32
    %add3A = arith.addi %mul3A_0, %arg0 : i32
    %mul3A_1 = arith.constant 256 : i32
    %mul3A_2 = arith.muli %add3A, %mul3A_1 : i32
    %add3A_3 = arith.constant 0 : i32
    %add3A_4 = arith.addi %mul3A_2, %add3A_3 : i32
    %dma_start3A = arith.constant 0 : i32
    %dma_start3A_5 = arith.constant 0 : i32
    %dma_start3A_6 = tpu.memref_slice %arg5[%dma_start3A, %dma_start3A_5] : memref<4x32xi32, #tpu.memory_space<vmem>> -> memref<1x32xi32, #tpu.memory_space<vmem>>
    %dma_start3A_7 = tpu.memref_squeeze %dma_start3A_6 : memref<1x32xi32, #tpu.memory_space<vmem>> -> memref<32xi32, #tpu.memory_space<vmem>>
    %dma_start3A_8 = tpu.memref_slice %arg3[%add3A_4] : memref<8192xi32, #tpu.memory_space<hbm>> -> memref<32xi32, #tpu.memory_space<hbm>>
    %dma_start3A_9 = arith.constant 0 : i32
    %dma_start3A_10 = tpu.memref_slice %arg5[%dma_start3A, %dma_start3A_9] : memref<4x32xi32, #tpu.memory_space<vmem>> -> memref<1x32xi32, #tpu.memory_space<vmem>>
    %dma_start3A_11 = tpu.memref_squeeze %dma_start3A_10 : memref<1x32xi32, #tpu.memory_space<vmem>> -> memref<32xi32, #tpu.memory_space<vmem>>
    %dma_start3A_12 = tpu.memref_slice %arg3[%add3A_4] : memref<8192xi32, #tpu.memory_space<hbm>> -> memref<32xi32, #tpu.memory_space<hbm>>
    tpu.enqueue_dma source(%dma_start3A_12 : memref<32xi32, #tpu.memory_space<hbm>>) target(%dma_start3A_11 : memref<32xi32, #tpu.memory_space<vmem>>) target_semaphore(%arg7 : memref<!tpu.dma_semaphore, #tpu.memory_space<semaphore_mem>>)
    %add3A_13 = arith.constant 32 : i32
    %add3A_14 = arith.addi %mul3A_2, %add3A_13 : i32
    %dma_start3A_15 = arith.constant 1 : i32
    %dma_start3A_16 = arith.constant 0 : i32
    %dma_start3A_17 = tpu.memref_slice %arg5[%dma_start3A_15, %dma_start3A_16] : memref<4x32xi32, #tpu.memory_space<vmem>> -> memref<1x32xi32, #tpu.memory_space<vmem>>
    %dma_start3A_18 = tpu.memref_squeeze %dma_start3A_17 : memref<1x32xi32, #tpu.memory_space<vmem>> -> memref<32xi32, #tpu.memory_space<vmem>>
    %dma_start3A_19 = tpu.memref_slice %arg3[%add3A_14] : memref<8192xi32, #tpu.memory_space<hbm>> -> memref<32xi32, #tpu.memory_space<hbm>>
    %dma_start3A_20 = arith.constant 0 : i32
    %dma_start3A_21 = tpu.memref_slice %arg5[%dma_start3A_15, %dma_start3A_20] : memref<4x32xi32, #tpu.memory_space<vmem>> -> memref<1x32xi32, #tpu.memory_space<vmem>>
    %dma_start3A_22 = tpu.memref_squeeze %dma_start3A_21 : memref<1x32xi32, #tpu.memory_space<vmem>> -> memref<32xi32, #tpu.memory_space<vmem>>
    %dma_start3A_23 = tpu.memref_slice %arg3[%add3A_14] : memref<8192xi32, #tpu.memory_space<hbm>> -> memref<32xi32, #tpu.memory_space<hbm>>
    tpu.enqueue_dma source(%dma_start3A_23 : memref<32xi32, #tpu.memory_space<hbm>>) target(%dma_start3A_22 : memref<32xi32, #tpu.memory_space<vmem>>) target_semaphore(%arg8 : memref<!tpu.dma_semaphore, #tpu.memory_space<semaphore_mem>>)
    %add3A_24 = arith.constant 64 : i32
    %add3A_25 = arith.addi %mul3A_2, %add3A_24 : i32
    %dma_start3A_26 = arith.constant 2 : i32
    %dma_start3A_27 = arith.constant 0 : i32
    %dma_start3A_28 = tpu.memref_slice %arg5[%dma_start3A_26, %dma_start3A_27] : memref<4x32xi32, #tpu.memory_space<vmem>> -> memref<1x32xi32, #tpu.memory_space<vmem>>
    %dma_start3A_29 = tpu.memref_squeeze %dma_start3A_28 : memref<1x32xi32, #tpu.memory_space<vmem>> -> memref<32xi32, #tpu.memory_space<vmem>>
    %dma_start3A_30 = tpu.memref_slice %arg3[%add3A_25] : memref<8192xi32, #tpu.memory_space<hbm>> -> memref<32xi32, #tpu.memory_space<hbm>>
    %dma_start3A_31 = arith.constant 0 : i32
    %dma_start3A_32 = tpu.memref_slice %arg5[%dma_start3A_26, %dma_start3A_31] : memref<4x32xi32, #tpu.memory_space<vmem>> -> memref<1x32xi32, #tpu.memory_space<vmem>>
    %dma_start3A_33 = tpu.memref_squeeze %dma_start3A_32 : memref<1x32xi32, #tpu.memory_space<vmem>> -> memref<32xi32, #tpu.memory_space<vmem>>
    %dma_start3A_34 = tpu.memref_slice %arg3[%add3A_25] : memref<8192xi32, #tpu.memory_space<hbm>> -> memref<32xi32, #tpu.memory_space<hbm>>
    tpu.enqueue_dma source(%dma_start3A_34 : memref<32xi32, #tpu.memory_space<hbm>>) target(%dma_start3A_33 : memref<32xi32, #tpu.memory_space<vmem>>) target_semaphore(%arg9 : memref<!tpu.dma_semaphore, #tpu.memory_space<semaphore_mem>>)
    %add3A_35 = arith.constant 96 : i32
    %add3A_36 = arith.addi %mul3A_2, %add3A_35 : i32
    %dma_start3A_37 = arith.constant 3 : i32
    %dma_start3A_38 = arith.constant 0 : i32
    %dma_start3A_39 = tpu.memref_slice %arg5[%dma_start3A_37, %dma_start3A_38] : memref<4x32xi32, #tpu.memory_space<vmem>> -> memref<1x32xi32, #tpu.memory_space<vmem>>
    %dma_start3A_40 = tpu.memref_squeeze %dma_start3A_39 : memref<1x32xi32, #tpu.memory_space<vmem>> -> memref<32xi32, #tpu.memory_space<vmem>>
    %dma_start3A_41 = tpu.memref_slice %arg3[%add3A_36] : memref<8192xi32, #tpu.memory_space<hbm>> -> memref<32xi32, #tpu.memory_space<hbm>>
    %dma_start3A_42 = arith.constant 0 : i32
    %dma_start3A_43 = tpu.memref_slice %arg5[%dma_start3A_37, %dma_start3A_42] : memref<4x32xi32, #tpu.memory_space<vmem>> -> memref<1x32xi32, #tpu.memory_space<vmem>>
    %dma_start3A_44 = tpu.memref_squeeze %dma_start3A_43 : memref<1x32xi32, #tpu.memory_space<vmem>> -> memref<32xi32, #tpu.memory_space<vmem>>
    %dma_start3A_45 = tpu.memref_slice %arg3[%add3A_36] : memref<8192xi32, #tpu.memory_space<hbm>> -> memref<32xi32, #tpu.memory_space<hbm>>
    tpu.enqueue_dma source(%dma_start3A_45 : memref<32xi32, #tpu.memory_space<hbm>>) target(%dma_start3A_44 : memref<32xi32, #tpu.memory_space<vmem>>) target_semaphore(%arg10 : memref<!tpu.dma_semaphore, #tpu.memory_space<semaphore_mem>>)
    %add3A_46 = arith.constant 0 : i32
    %add3A_47 = arith.addi %mul3A_2, %add3A_46 : i32
    %dma_wait3A = arith.constant 0 : i32
    %dma_wait3A_48 = arith.constant 0 : i32
    %dma_wait3A_49 = tpu.memref_slice %arg5[%dma_wait3A, %dma_wait3A_48] : memref<4x32xi32, #tpu.memory_space<vmem>> -> memref<1x32xi32, #tpu.memory_space<vmem>>
    %dma_wait3A_50 = tpu.memref_squeeze %dma_wait3A_49 : memref<1x32xi32, #tpu.memory_space<vmem>> -> memref<32xi32, #tpu.memory_space<vmem>>
    %dma_wait3A_51 = tpu.memref_slice %arg3[%add3A_47] : memref<8192xi32, #tpu.memory_space<hbm>> -> memref<32xi32, #tpu.memory_space<hbm>>
    %dma_wait3A_52 = arith.constant 0 : i32
    %dma_wait3A_53 = tpu.memref_slice %arg5[%dma_wait3A, %dma_wait3A_52] : memref<4x32xi32, #tpu.memory_space<vmem>> -> memref<1x32xi32, #tpu.memory_space<vmem>>
    %dma_wait3A_54 = tpu.memref_squeeze %dma_wait3A_53 : memref<1x32xi32, #tpu.memory_space<vmem>> -> memref<32xi32, #tpu.memory_space<vmem>>
    %dma_wait3A_55 = tpu.memref_slice %arg3[%add3A_47] : memref<8192xi32, #tpu.memory_space<hbm>> -> memref<32xi32, #tpu.memory_space<hbm>>
    tpu.wait_dma2 semaphore(%arg7 : memref<!tpu.dma_semaphore, #tpu.memory_space<semaphore_mem>>) src(%dma_wait3A_55 : memref<32xi32, #tpu.memory_space<hbm>>) dst(%dma_wait3A_54 : memref<32xi32, #tpu.memory_space<vmem>>)
    %dma_start3A_56 = arith.constant 0 : i32
    %dma_start3A_57 = arith.constant 0 : i32
    %dma_start3A_58 = arith.constant 0 : i32
    %dma_start3A_59 = arith.constant 0 : i32
    %dma_start3A_60 = tpu.memref_slice %arg6[%dma_start3A_57, %dma_start3A_58, %dma_start3A_59] : memref<4x32x768xf32, #tpu.memory_space<vmem>> -> memref<1x32x768xf32, #tpu.memory_space<vmem>>
    %dma_start3A_61 = tpu.memref_squeeze %dma_start3A_60 : memref<1x32x768xf32, #tpu.memory_space<vmem>> -> memref<32x768xf32, #tpu.memory_space<vmem>>
    %dma_start3A_62 = arith.constant 0 : i32
    %dma_start3A_63 = tpu.memref_slice %arg5[%dma_start3A_56, %dma_start3A_62] : memref<4x32xi32, #tpu.memory_space<vmem>> -> memref<1x32xi32, #tpu.memory_space<vmem>>
    %dma_start3A_64 = tpu.memref_squeeze %dma_start3A_63 : memref<1x32xi32, #tpu.memory_space<vmem>> -> memref<32xi32, #tpu.memory_space<vmem>>
    %dma_start3A_65 = arith.constant 0 : i32
    %dma_start3A_66 = arith.constant 0 : i32
    %dma_start3A_67 = tpu.memref_slice %arg2[%dma_start3A_65, %dma_start3A_66] : memref<100000x768xf32, #tpu.memory_space<hbm>> -> memref<100000x768xf32, #tpu.memory_space<hbm>>
    tpu.enqueue_indirect_dma source(%dma_start3A_67 : memref<100000x768xf32, #tpu.memory_space<hbm>>) target(%dma_start3A_61 : memref<32x768xf32, #tpu.memory_space<vmem>>) offsets(%dma_start3A_64 : memref<32xi32, #tpu.memory_space<vmem>>) semaphore(%arg11 : memref<!tpu.dma_semaphore, #tpu.memory_space<semaphore_mem>>)
    %add3A_68 = arith.constant 32 : i32
    %add3A_69 = arith.addi %mul3A_2, %add3A_68 : i32
    %dma_wait3A_70 = arith.constant 1 : i32
    %dma_wait3A_71 = arith.constant 0 : i32
    %dma_wait3A_72 = tpu.memref_slice %arg5[%dma_wait3A_70, %dma_wait3A_71] : memref<4x32xi32, #tpu.memory_space<vmem>> -> memref<1x32xi32, #tpu.memory_space<vmem>>
    %dma_wait3A_73 = tpu.memref_squeeze %dma_wait3A_72 : memref<1x32xi32, #tpu.memory_space<vmem>> -> memref<32xi32, #tpu.memory_space<vmem>>
    %dma_wait3A_74 = tpu.memref_slice %arg3[%add3A_69] : memref<8192xi32, #tpu.memory_space<hbm>> -> memref<32xi32, #tpu.memory_space<hbm>>
    %dma_wait3A_75 = arith.constant 0 : i32
    %dma_wait3A_76 = tpu.memref_slice %arg5[%dma_wait3A_70, %dma_wait3A_75] : memref<4x32xi32, #tpu.memory_space<vmem>> -> memref<1x32xi32, #tpu.memory_space<vmem>>
    %dma_wait3A_77 = tpu.memref_squeeze %dma_wait3A_76 : memref<1x32xi32, #tpu.memory_space<vmem>> -> memref<32xi32, #tpu.memory_space<vmem>>
    %dma_wait3A_78 = tpu.memref_slice %arg3[%add3A_69] : memref<8192xi32, #tpu.memory_space<hbm>> -> memref<32xi32, #tpu.memory_space<hbm>>
    tpu.wait_dma2 semaphore(%arg8 : memref<!tpu.dma_semaphore, #tpu.memory_space<semaphore_mem>>) src(%dma_wait3A_78 : memref<32xi32, #tpu.memory_space<hbm>>) dst(%dma_wait3A_77 : memref<32xi32, #tpu.memory_space<vmem>>)
    %dma_start3A_79 = arith.constant 1 : i32
    %dma_start3A_80 = arith.constant 1 : i32
    %dma_start3A_81 = arith.constant 0 : i32
    %dma_start3A_82 = arith.constant 0 : i32
    %dma_start3A_83 = tpu.memref_slice %arg6[%dma_start3A_80, %dma_start3A_81, %dma_start3A_82] : memref<4x32x768xf32, #tpu.memory_space<vmem>> -> memref<1x32x768xf32, #tpu.memory_space<vmem>>
    %dma_start3A_84 = tpu.memref_squeeze %dma_start3A_83 : memref<1x32x768xf32, #tpu.memory_space<vmem>> -> memref<32x768xf32, #tpu.memory_space<vmem>>
    %dma_start3A_85 = arith.constant 0 : i32
    %dma_start3A_86 = tpu.memref_slice %arg5[%dma_start3A_79, %dma_start3A_85] : memref<4x32xi32, #tpu.memory_space<vmem>> -> memref<1x32xi32, #tpu.memory_space<vmem>>
    %dma_start3A_87 = tpu.memref_squeeze %dma_start3A_86 : memref<1x32xi32, #tpu.memory_space<vmem>> -> memref<32xi32, #tpu.memory_space<vmem>>
    %dma_start3A_88 = arith.constant 0 : i32
    %dma_start3A_89 = arith.constant 0 : i32
    %dma_start3A_90 = tpu.memref_slice %arg2[%dma_start3A_88, %dma_start3A_89] : memref<100000x768xf32, #tpu.memory_space<hbm>> -> memref<100000x768xf32, #tpu.memory_space<hbm>>
    tpu.enqueue_indirect_dma source(%dma_start3A_90 : memref<100000x768xf32, #tpu.memory_space<hbm>>) target(%dma_start3A_84 : memref<32x768xf32, #tpu.memory_space<vmem>>) offsets(%dma_start3A_87 : memref<32xi32, #tpu.memory_space<vmem>>) semaphore(%arg12 : memref<!tpu.dma_semaphore, #tpu.memory_space<semaphore_mem>>)
    %add3A_91 = arith.constant 64 : i32
    %add3A_92 = arith.addi %mul3A_2, %add3A_91 : i32
    %dma_wait3A_93 = arith.constant 2 : i32
    %dma_wait3A_94 = arith.constant 0 : i32
    %dma_wait3A_95 = tpu.memref_slice %arg5[%dma_wait3A_93, %dma_wait3A_94] : memref<4x32xi32, #tpu.memory_space<vmem>> -> memref<1x32xi32, #tpu.memory_space<vmem>>
    %dma_wait3A_96 = tpu.memref_squeeze %dma_wait3A_95 : memref<1x32xi32, #tpu.memory_space<vmem>> -> memref<32xi32, #tpu.memory_space<vmem>>
    %dma_wait3A_97 = tpu.memref_slice %arg3[%add3A_92] : memref<8192xi32, #tpu.memory_space<hbm>> -> memref<32xi32, #tpu.memory_space<hbm>>
    %dma_wait3A_98 = arith.constant 0 : i32
    %dma_wait3A_99 = tpu.memref_slice %arg5[%dma_wait3A_93, %dma_wait3A_98] : memref<4x32xi32, #tpu.memory_space<vmem>> -> memref<1x32xi32, #tpu.memory_space<vmem>>
    %dma_wait3A_100 = tpu.memref_squeeze %dma_wait3A_99 : memref<1x32xi32, #tpu.memory_space<vmem>> -> memref<32xi32, #tpu.memory_space<vmem>>
    %dma_wait3A_101 = tpu.memref_slice %arg3[%add3A_92] : memref<8192xi32, #tpu.memory_space<hbm>> -> memref<32xi32, #tpu.memory_space<hbm>>
    tpu.wait_dma2 semaphore(%arg9 : memref<!tpu.dma_semaphore, #tpu.memory_space<semaphore_mem>>) src(%dma_wait3A_101 : memref<32xi32, #tpu.memory_space<hbm>>) dst(%dma_wait3A_100 : memref<32xi32, #tpu.memory_space<vmem>>)
    %dma_start3A_102 = arith.constant 2 : i32
    %dma_start3A_103 = arith.constant 2 : i32
    %dma_start3A_104 = arith.constant 0 : i32
    %dma_start3A_105 = arith.constant 0 : i32
    %dma_start3A_106 = tpu.memref_slice %arg6[%dma_start3A_103, %dma_start3A_104, %dma_start3A_105] : memref<4x32x768xf32, #tpu.memory_space<vmem>> -> memref<1x32x768xf32, #tpu.memory_space<vmem>>
    %dma_start3A_107 = tpu.memref_squeeze %dma_start3A_106 : memref<1x32x768xf32, #tpu.memory_space<vmem>> -> memref<32x768xf32, #tpu.memory_space<vmem>>
    %dma_start3A_108 = arith.constant 0 : i32
    %dma_start3A_109 = tpu.memref_slice %arg5[%dma_start3A_102, %dma_start3A_108] : memref<4x32xi32, #tpu.memory_space<vmem>> -> memref<1x32xi32, #tpu.memory_space<vmem>>
    %dma_start3A_110 = tpu.memref_squeeze %dma_start3A_109 : memref<1x32xi32, #tpu.memory_space<vmem>> -> memref<32xi32, #tpu.memory_space<vmem>>
    %dma_start3A_111 = arith.constant 0 : i32
    %dma_start3A_112 = arith.constant 0 : i32
    %dma_start3A_113 = tpu.memref_slice %arg2[%dma_start3A_111, %dma_start3A_112] : memref<100000x768xf32, #tpu.memory_space<hbm>> -> memref<100000x768xf32, #tpu.memory_space<hbm>>
    tpu.enqueue_indirect_dma source(%dma_start3A_113 : memref<100000x768xf32, #tpu.memory_space<hbm>>) target(%dma_start3A_107 : memref<32x768xf32, #tpu.memory_space<vmem>>) offsets(%dma_start3A_110 : memref<32xi32, #tpu.memory_space<vmem>>) semaphore(%arg13 : memref<!tpu.dma_semaphore, #tpu.memory_space<semaphore_mem>>)
    %dma_wait3A_114 = arith.constant 0 : i32
    %dma_wait3A_115 = arith.constant 0 : i32
    %dma_wait3A_116 = arith.constant 0 : i32
    %dma_wait3A_117 = arith.constant 0 : i32
    %dma_wait3A_118 = tpu.memref_slice %arg6[%dma_wait3A_115, %dma_wait3A_116, %dma_wait3A_117] : memref<4x32x768xf32, #tpu.memory_space<vmem>> -> memref<1x32x768xf32, #tpu.memory_space<vmem>>
    %dma_wait3A_119 = tpu.memref_squeeze %dma_wait3A_118 : memref<1x32x768xf32, #tpu.memory_space<vmem>> -> memref<32x768xf32, #tpu.memory_space<vmem>>
    %dma_wait3A_120 = arith.constant 0 : i32
    %dma_wait3A_121 = tpu.memref_slice %arg5[%dma_wait3A_114, %dma_wait3A_120] : memref<4x32xi32, #tpu.memory_space<vmem>> -> memref<1x32xi32, #tpu.memory_space<vmem>>
    %dma_wait3A_122 = tpu.memref_squeeze %dma_wait3A_121 : memref<1x32xi32, #tpu.memory_space<vmem>> -> memref<32xi32, #tpu.memory_space<vmem>>
    %dma_wait3A_123 = arith.constant 0 : i32
    %dma_wait3A_124 = arith.constant 0 : i32
    %dma_wait3A_125 = tpu.memref_slice %arg2[%dma_wait3A_123, %dma_wait3A_124] : memref<100000x768xf32, #tpu.memory_space<hbm>> -> memref<100000x768xf32, #tpu.memory_space<hbm>>
    tpu.wait_indirect_dma semaphore(%arg11 : memref<!tpu.dma_semaphore, #tpu.memory_space<semaphore_mem>>) src(%dma_wait3A_125 : memref<100000x768xf32, #tpu.memory_space<hbm>>) dst(%dma_wait3A_119 : memref<32x768xf32, #tpu.memory_space<vmem>>)
    %add3A_126 = arith.constant 128 : i32
    %add3A_127 = arith.addi %mul3A_2, %add3A_126 : i32
    %dma_start3A_128 = arith.constant 0 : i32
    %dma_start3A_129 = arith.constant 0 : i32
    %dma_start3A_130 = tpu.memref_slice %arg5[%dma_start3A_128, %dma_start3A_129] : memref<4x32xi32, #tpu.memory_space<vmem>> -> memref<1x32xi32, #tpu.memory_space<vmem>>
    %dma_start3A_131 = tpu.memref_squeeze %dma_start3A_130 : memref<1x32xi32, #tpu.memory_space<vmem>> -> memref<32xi32, #tpu.memory_space<vmem>>
    %dma_start3A_132 = tpu.memref_slice %arg3[%add3A_127] : memref<8192xi32, #tpu.memory_space<hbm>> -> memref<32xi32, #tpu.memory_space<hbm>>
    %dma_start3A_133 = arith.constant 0 : i32
    %dma_start3A_134 = tpu.memref_slice %arg5[%dma_start3A_128, %dma_start3A_133] : memref<4x32xi32, #tpu.memory_space<vmem>> -> memref<1x32xi32, #tpu.memory_space<vmem>>
    %dma_start3A_135 = tpu.memref_squeeze %dma_start3A_134 : memref<1x32xi32, #tpu.memory_space<vmem>> -> memref<32xi32, #tpu.memory_space<vmem>>
    %dma_start3A_136 = tpu.memref_slice %arg3[%add3A_127] : memref<8192xi32, #tpu.memory_space<hbm>> -> memref<32xi32, #tpu.memory_space<hbm>>
    tpu.enqueue_dma source(%dma_start3A_136 : memref<32xi32, #tpu.memory_space<hbm>>) target(%dma_start3A_135 : memref<32xi32, #tpu.memory_space<vmem>>) target_semaphore(%arg7 : memref<!tpu.dma_semaphore, #tpu.memory_space<semaphore_mem>>)
    %add3A_137 = arith.constant 0 : i32
    %add3A_138 = arith.addi %mul3A_2, %add3A_137 : i32
    %dma_start3A_139 = arith.constant 0 : i32
    %dma_start3A_140 = arith.constant 0 : i32
    %dma_start3A_141 = arith.constant 0 : i32
    %dma_start3A_142 = tpu.memref_slice %arg6[%dma_start3A_139, %dma_start3A_140, %dma_start3A_141] : memref<4x32x768xf32, #tpu.memory_space<vmem>> -> memref<1x32x768xf32, #tpu.memory_space<vmem>>
    %dma_start3A_143 = tpu.memref_squeeze %dma_start3A_142 : memref<1x32x768xf32, #tpu.memory_space<vmem>> -> memref<32x768xf32, #tpu.memory_space<vmem>>
    %dma_start3A_144 = arith.constant 0 : i32
    %dma_start3A_145 = tpu.memref_slice %arg4[%add3A_138, %dma_start3A_144] : memref<8192x768xf32, #tpu.memory_space<hbm>> -> memref<32x768xf32, #tpu.memory_space<hbm>>
    %dma_start3A_146 = arith.constant 0 : i32
    %dma_start3A_147 = tpu.memref_slice %arg4[%add3A_138, %dma_start3A_146] : memref<8192x768xf32, #tpu.memory_space<hbm>> -> memref<32x768xf32, #tpu.memory_space<hbm>>
    %dma_start3A_148 = arith.constant 0 : i32
    %dma_start3A_149 = arith.constant 0 : i32
    %dma_start3A_150 = tpu.memref_slice %arg6[%dma_start3A_139, %dma_start3A_148, %dma_start3A_149] : memref<4x32x768xf32, #tpu.memory_space<vmem>> -> memref<1x32x768xf32, #tpu.memory_space<vmem>>
    %dma_start3A_151 = tpu.memref_squeeze %dma_start3A_150 : memref<1x32x768xf32, #tpu.memory_space<vmem>> -> memref<32x768xf32, #tpu.memory_space<vmem>>
    tpu.enqueue_dma source(%dma_start3A_151 : memref<32x768xf32, #tpu.memory_space<vmem>>) target(%dma_start3A_147 : memref<32x768xf32, #tpu.memory_space<hbm>>) target_semaphore(%arg15 : memref<!tpu.dma_semaphore, #tpu.memory_space<semaphore_mem>>)
    %add3A_152 = arith.constant 96 : i32
    %add3A_153 = arith.addi %mul3A_2, %add3A_152 : i32
    %dma_wait3A_154 = arith.constant 3 : i32
    %dma_wait3A_155 = arith.constant 0 : i32
    %dma_wait3A_156 = tpu.memref_slice %arg5[%dma_wait3A_154, %dma_wait3A_155] : memref<4x32xi32, #tpu.memory_space<vmem>> -> memref<1x32xi32, #tpu.memory_space<vmem>>
    %dma_wait3A_157 = tpu.memref_squeeze %dma_wait3A_156 : memref<1x32xi32, #tpu.memory_space<vmem>> -> memref<32xi32, #tpu.memory_space<vmem>>
    %dma_wait3A_158 = tpu.memref_slice %arg3[%add3A_153] : memref<8192xi32, #tpu.memory_space<hbm>> -> memref<32xi32, #tpu.memory_space<hbm>>
    %dma_wait3A_159 = arith.constant 0 : i32
    %dma_wait3A_160 = tpu.memref_slice %arg5[%dma_wait3A_154, %dma_wait3A_159] : memref<4x32xi32, #tpu.memory_space<vmem>> -> memref<1x32xi32, #tpu.memory_space<vmem>>
    %dma_wait3A_161 = tpu.memref_squeeze %dma_wait3A_160 : memref<1x32xi32, #tpu.memory_space<vmem>> -> memref<32xi32, #tpu.memory_space<vmem>>
    %dma_wait3A_162 = tpu.memref_slice %arg3[%add3A_153] : memref<8192xi32, #tpu.memory_space<hbm>> -> memref<32xi32, #tpu.memory_space<hbm>>
    tpu.wait_dma2 semaphore(%arg10 : memref<!tpu.dma_semaphore, #tpu.memory_space<semaphore_mem>>) src(%dma_wait3A_162 : memref<32xi32, #tpu.memory_space<hbm>>) dst(%dma_wait3A_161 : memref<32xi32, #tpu.memory_space<vmem>>)
    %dma_start3A_163 = arith.constant 3 : i32
    %dma_start3A_164 = arith.constant 3 : i32
    %dma_start3A_165 = arith.constant 0 : i32
    %dma_start3A_166 = arith.constant 0 : i32
    %dma_start3A_167 = tpu.memref_slice %arg6[%dma_start3A_164, %dma_start3A_165, %dma_start3A_166] : memref<4x32x768xf32, #tpu.memory_space<vmem>> -> memref<1x32x768xf32, #tpu.memory_space<vmem>>
    %dma_start3A_168 = tpu.memref_squeeze %dma_start3A_167 : memref<1x32x768xf32, #tpu.memory_space<vmem>> -> memref<32x768xf32, #tpu.memory_space<vmem>>
    %dma_start3A_169 = arith.constant 0 : i32
    %dma_start3A_170 = tpu.memref_slice %arg5[%dma_start3A_163, %dma_start3A_169] : memref<4x32xi32, #tpu.memory_space<vmem>> -> memref<1x32xi32, #tpu.memory_space<vmem>>
    %dma_start3A_171 = tpu.memref_squeeze %dma_start3A_170 : memref<1x32xi32, #tpu.memory_space<vmem>> -> memref<32xi32, #tpu.memory_space<vmem>>
    %dma_start3A_172 = arith.constant 0 : i32
    %dma_start3A_173 = arith.constant 0 : i32
    %dma_start3A_174 = tpu.memref_slice %arg2[%dma_start3A_172, %dma_start3A_173] : memref<100000x768xf32, #tpu.memory_space<hbm>> -> memref<100000x768xf32, #tpu.memory_space<hbm>>
    tpu.enqueue_indirect_dma source(%dma_start3A_174 : memref<100000x768xf32, #tpu.memory_space<hbm>>) target(%dma_start3A_168 : memref<32x768xf32, #tpu.memory_space<vmem>>) offsets(%dma_start3A_171 : memref<32xi32, #tpu.memory_space<vmem>>) semaphore(%arg14 : memref<!tpu.dma_semaphore, #tpu.memory_space<semaphore_mem>>)
    %dma_wait3A_175 = arith.constant 1 : i32
    %dma_wait3A_176 = arith.constant 1 : i32
    %dma_wait3A_177 = arith.constant 0 : i32
    %dma_wait3A_178 = arith.constant 0 : i32
    %dma_wait3A_179 = tpu.memref_slice %arg6[%dma_wait3A_176, %dma_wait3A_177, %dma_wait3A_178] : memref<4x32x768xf32, #tpu.memory_space<vmem>> -> memref<1x32x768xf32, #tpu.memory_space<vmem>>
    %dma_wait3A_180 = tpu.memref_squeeze %dma_wait3A_179 : memref<1x32x768xf32, #tpu.memory_space<vmem>> -> memref<32x768xf32, #tpu.memory_space<vmem>>
    %dma_wait3A_181 = arith.constant 0 : i32
    %dma_wait3A_182 = tpu.memref_slice %arg5[%dma_wait3A_175, %dma_wait3A_181] : memref<4x32xi32, #tpu.memory_space<vmem>> -> memref<1x32xi32, #tpu.memory_space<vmem>>
    %dma_wait3A_183 = tpu.memref_squeeze %dma_wait3A_182 : memref<1x32xi32, #tpu.memory_space<vmem>> -> memref<32xi32, #tpu.memory_space<vmem>>
    %dma_wait3A_184 = arith.constant 0 : i32
    %dma_wait3A_185 = arith.constant 0 : i32
    %dma_wait3A_186 = tpu.memref_slice %arg2[%dma_wait3A_184, %dma_wait3A_185] : memref<100000x768xf32, #tpu.memory_space<hbm>> -> memref<100000x768xf32, #tpu.memory_space<hbm>>
    tpu.wait_indirect_dma semaphore(%arg12 : memref<!tpu.dma_semaphore, #tpu.memory_space<semaphore_mem>>) src(%dma_wait3A_186 : memref<100000x768xf32, #tpu.memory_space<hbm>>) dst(%dma_wait3A_180 : memref<32x768xf32, #tpu.memory_space<vmem>>)
    %add3A_187 = arith.constant 160 : i32
    %add3A_188 = arith.addi %mul3A_2, %add3A_187 : i32
    %dma_start3A_189 = arith.constant 1 : i32
    %dma_start3A_190 = arith.constant 0 : i32
    %dma_start3A_191 = tpu.memref_slice %arg5[%dma_start3A_189, %dma_start3A_190] : memref<4x32xi32, #tpu.memory_space<vmem>> -> memref<1x32xi32, #tpu.memory_space<vmem>>
    %dma_start3A_192 = tpu.memref_squeeze %dma_start3A_191 : memref<1x32xi32, #tpu.memory_space<vmem>> -> memref<32xi32, #tpu.memory_space<vmem>>
    %dma_start3A_193 = tpu.memref_slice %arg3[%add3A_188] : memref<8192xi32, #tpu.memory_space<hbm>> -> memref<32xi32, #tpu.memory_space<hbm>>
    %dma_start3A_194 = arith.constant 0 : i32
    %dma_start3A_195 = tpu.memref_slice %arg5[%dma_start3A_189, %dma_start3A_194] : memref<4x32xi32, #tpu.memory_space<vmem>> -> memref<1x32xi32, #tpu.memory_space<vmem>>
    %dma_start3A_196 = tpu.memref_squeeze %dma_start3A_195 : memref<1x32xi32, #tpu.memory_space<vmem>> -> memref<32xi32, #tpu.memory_space<vmem>>
    %dma_start3A_197 = tpu.memref_slice %arg3[%add3A_188] : memref<8192xi32, #tpu.memory_space<hbm>> -> memref<32xi32, #tpu.memory_space<hbm>>
    tpu.enqueue_dma source(%dma_start3A_197 : memref<32xi32, #tpu.memory_space<hbm>>) target(%dma_start3A_196 : memref<32xi32, #tpu.memory_space<vmem>>) target_semaphore(%arg8 : memref<!tpu.dma_semaphore, #tpu.memory_space<semaphore_mem>>)
    %add3A_198 = arith.constant 32 : i32
    %add3A_199 = arith.addi %mul3A_2, %add3A_198 : i32
    %dma_start3A_200 = arith.constant 1 : i32
    %dma_start3A_201 = arith.constant 0 : i32
    %dma_start3A_202 = arith.constant 0 : i32
    %dma_start3A_203 = tpu.memref_slice %arg6[%dma_start3A_200, %dma_start3A_201, %dma_start3A_202] : memref<4x32x768xf32, #tpu.memory_space<vmem>> -> memref<1x32x768xf32, #tpu.memory_space<vmem>>
    %dma_start3A_204 = tpu.memref_squeeze %dma_start3A_203 : memref<1x32x768xf32, #tpu.memory_space<vmem>> -> memref<32x768xf32, #tpu.memory_space<vmem>>
    %dma_start3A_205 = arith.constant 0 : i32
    %dma_start3A_206 = tpu.memref_slice %arg4[%add3A_199, %dma_start3A_205] : memref<8192x768xf32, #tpu.memory_space<hbm>> -> memref<32x768xf32, #tpu.memory_space<hbm>>
    %dma_start3A_207 = arith.constant 0 : i32
    %dma_start3A_208 = tpu.memref_slice %arg4[%add3A_199, %dma_start3A_207] : memref<8192x768xf32, #tpu.memory_space<hbm>> -> memref<32x768xf32, #tpu.memory_space<hbm>>
    %dma_start3A_209 = arith.constant 0 : i32
    %dma_start3A_210 = arith.constant 0 : i32
    %dma_start3A_211 = tpu.memref_slice %arg6[%dma_start3A_200, %dma_start3A_209, %dma_start3A_210] : memref<4x32x768xf32, #tpu.memory_space<vmem>> -> memref<1x32x768xf32, #tpu.memory_space<vmem>>
    %dma_start3A_212 = tpu.memref_squeeze %dma_start3A_211 : memref<1x32x768xf32, #tpu.memory_space<vmem>> -> memref<32x768xf32, #tpu.memory_space<vmem>>
    tpu.enqueue_dma source(%dma_start3A_212 : memref<32x768xf32, #tpu.memory_space<vmem>>) target(%dma_start3A_208 : memref<32x768xf32, #tpu.memory_space<hbm>>) target_semaphore(%arg16 : memref<!tpu.dma_semaphore, #tpu.memory_space<semaphore_mem>>)
    %add3A_213 = arith.constant 128 : i32
    %add3A_214 = arith.addi %mul3A_2, %add3A_213 : i32
    %dma_wait3A_215 = arith.constant 0 : i32
    %dma_wait3A_216 = arith.constant 0 : i32
    %dma_wait3A_217 = tpu.memref_slice %arg5[%dma_wait3A_215, %dma_wait3A_216] : memref<4x32xi32, #tpu.memory_space<vmem>> -> memref<1x32xi32, #tpu.memory_space<vmem>>
    %dma_wait3A_218 = tpu.memref_squeeze %dma_wait3A_217 : memref<1x32xi32, #tpu.memory_space<vmem>> -> memref<32xi32, #tpu.memory_space<vmem>>
    %dma_wait3A_219 = tpu.memref_slice %arg3[%add3A_214] : memref<8192xi32, #tpu.memory_space<hbm>> -> memref<32xi32, #tpu.memory_space<hbm>>
    %dma_wait3A_220 = arith.constant 0 : i32
    %dma_wait3A_221 = tpu.memref_slice %arg5[%dma_wait3A_215, %dma_wait3A_220] : memref<4x32xi32, #tpu.memory_space<vmem>> -> memref<1x32xi32, #tpu.memory_space<vmem>>
    %dma_wait3A_222 = tpu.memref_squeeze %dma_wait3A_221 : memref<1x32xi32, #tpu.memory_space<vmem>> -> memref<32xi32, #tpu.memory_space<vmem>>
    %dma_wait3A_223 = tpu.memref_slice %arg3[%add3A_214] : memref<8192xi32, #tpu.memory_space<hbm>> -> memref<32xi32, #tpu.memory_space<hbm>>
    tpu.wait_dma2 semaphore(%arg7 : memref<!tpu.dma_semaphore, #tpu.memory_space<semaphore_mem>>) src(%dma_wait3A_223 : memref<32xi32, #tpu.memory_space<hbm>>) dst(%dma_wait3A_222 : memref<32xi32, #tpu.memory_space<vmem>>)
    %add3A_224 = arith.constant 0 : i32
    %add3A_225 = arith.addi %mul3A_2, %add3A_224 : i32
    %dma_wait3A_226 = arith.constant 0 : i32
    %dma_wait3A_227 = arith.constant 0 : i32
    %dma_wait3A_228 = arith.constant 0 : i32
    %dma_wait3A_229 = tpu.memref_slice %arg6[%dma_wait3A_226, %dma_wait3A_227, %dma_wait3A_228] : memref<4x32x768xf32, #tpu.memory_space<vmem>> -> memref<1x32x768xf32, #tpu.memory_space<vmem>>
    %dma_wait3A_230 = tpu.memref_squeeze %dma_wait3A_229 : memref<1x32x768xf32, #tpu.memory_space<vmem>> -> memref<32x768xf32, #tpu.memory_space<vmem>>
    %dma_wait3A_231 = arith.constant 0 : i32
    %dma_wait3A_232 = tpu.memref_slice %arg4[%add3A_225, %dma_wait3A_231] : memref<8192x768xf32, #tpu.memory_space<hbm>> -> memref<32x768xf32, #tpu.memory_space<hbm>>
    %dma_wait3A_233 = arith.constant 0 : i32
    %dma_wait3A_234 = tpu.memref_slice %arg4[%add3A_225, %dma_wait3A_233] : memref<8192x768xf32, #tpu.memory_space<hbm>> -> memref<32x768xf32, #tpu.memory_space<hbm>>
    %dma_wait3A_235 = arith.constant 0 : i32
    %dma_wait3A_236 = arith.constant 0 : i32
    %dma_wait3A_237 = tpu.memref_slice %arg6[%dma_wait3A_226, %dma_wait3A_235, %dma_wait3A_236] : memref<4x32x768xf32, #tpu.memory_space<vmem>> -> memref<1x32x768xf32, #tpu.memory_space<vmem>>
    %dma_wait3A_238 = tpu.memref_squeeze %dma_wait3A_237 : memref<1x32x768xf32, #tpu.memory_space<vmem>> -> memref<32x768xf32, #tpu.memory_space<vmem>>
    tpu.wait_dma2 semaphore(%arg15 : memref<!tpu.dma_semaphore, #tpu.memory_space<semaphore_mem>>) src(%dma_wait3A_238 : memref<32x768xf32, #tpu.memory_space<vmem>>) dst(%dma_wait3A_234 : memref<32x768xf32, #tpu.memory_space<hbm>>)
    %dma_start3A_239 = arith.constant 0 : i32
    %dma_start3A_240 = arith.constant 0 : i32
    %dma_start3A_241 = arith.constant 0 : i32
    %dma_start3A_242 = arith.constant 0 : i32
    %dma_start3A_243 = tpu.memref_slice %arg6[%dma_start3A_240, %dma_start3A_241, %dma_start3A_242] : memref<4x32x768xf32, #tpu.memory_space<vmem>> -> memref<1x32x768xf32, #tpu.memory_space<vmem>>
    %dma_start3A_244 = tpu.memref_squeeze %dma_start3A_243 : memref<1x32x768xf32, #tpu.memory_space<vmem>> -> memref<32x768xf32, #tpu.memory_space<vmem>>
    %dma_start3A_245 = arith.constant 0 : i32
    %dma_start3A_246 = tpu.memref_slice %arg5[%dma_start3A_239, %dma_start3A_245] : memref<4x32xi32, #tpu.memory_space<vmem>> -> memref<1x32xi32, #tpu.memory_space<vmem>>
    %dma_start3A_247 = tpu.memref_squeeze %dma_start3A_246 : memref<1x32xi32, #tpu.memory_space<vmem>> -> memref<32xi32, #tpu.memory_space<vmem>>
    %dma_start3A_248 = arith.constant 0 : i32
    %dma_start3A_249 = arith.constant 0 : i32
    %dma_start3A_250 = tpu.memref_slice %arg2[%dma_start3A_248, %dma_start3A_249] : memref<100000x768xf32, #tpu.memory_space<hbm>> -> memref<100000x768xf32, #tpu.memory_space<hbm>>
    tpu.enqueue_indirect_dma source(%dma_start3A_250 : memref<100000x768xf32, #tpu.memory_space<hbm>>) target(%dma_start3A_244 : memref<32x768xf32, #tpu.memory_space<vmem>>) offsets(%dma_start3A_247 : memref<32xi32, #tpu.memory_space<vmem>>) semaphore(%arg11 : memref<!tpu.dma_semaphore, #tpu.memory_space<semaphore_mem>>)
    %dma_wait3A_251 = arith.constant 2 : i32
    %dma_wait3A_252 = arith.constant 2 : i32
    %dma_wait3A_253 = arith.constant 0 : i32
    %dma_wait3A_254 = arith.constant 0 : i32
    %dma_wait3A_255 = tpu.memref_slice %arg6[%dma_wait3A_252, %dma_wait3A_253, %dma_wait3A_254] : memref<4x32x768xf32, #tpu.memory_space<vmem>> -> memref<1x32x768xf32, #tpu.memory_space<vmem>>
    %dma_wait3A_256 = tpu.memref_squeeze %dma_wait3A_255 : memref<1x32x768xf32, #tpu.memory_space<vmem>> -> memref<32x768xf32, #tpu.memory_space<vmem>>
    %dma_wait3A_257 = arith.constant 0 : i32
    %dma_wait3A_258 = tpu.memref_slice %arg5[%dma_wait3A_251, %dma_wait3A_257] : memref<4x32xi32, #tpu.memory_space<vmem>> -> memref<1x32xi32, #tpu.memory_space<vmem>>
    %dma_wait3A_259 = tpu.memref_squeeze %dma_wait3A_258 : memref<1x32xi32, #tpu.memory_space<vmem>> -> memref<32xi32, #tpu.memory_space<vmem>>
    %dma_wait3A_260 = arith.constant 0 : i32
    %dma_wait3A_261 = arith.constant 0 : i32
    %dma_wait3A_262 = tpu.memref_slice %arg2[%dma_wait3A_260, %dma_wait3A_261] : memref<100000x768xf32, #tpu.memory_space<hbm>> -> memref<100000x768xf32, #tpu.memory_space<hbm>>
    tpu.wait_indirect_dma semaphore(%arg13 : memref<!tpu.dma_semaphore, #tpu.memory_space<semaphore_mem>>) src(%dma_wait3A_262 : memref<100000x768xf32, #tpu.memory_space<hbm>>) dst(%dma_wait3A_256 : memref<32x768xf32, #tpu.memory_space<vmem>>)
    %add3A_263 = arith.constant 192 : i32
    %add3A_264 = arith.addi %mul3A_2, %add3A_263 : i32
    %dma_start3A_265 = arith.constant 2 : i32
    %dma_start3A_266 = arith.constant 0 : i32
    %dma_start3A_267 = tpu.memref_slice %arg5[%dma_start3A_265, %dma_start3A_266] : memref<4x32xi32, #tpu.memory_space<vmem>> -> memref<1x32xi32, #tpu.memory_space<vmem>>
    %dma_start3A_268 = tpu.memref_squeeze %dma_start3A_267 : memref<1x32xi32, #tpu.memory_space<vmem>> -> memref<32xi32, #tpu.memory_space<vmem>>
    %dma_start3A_269 = tpu.memref_slice %arg3[%add3A_264] : memref<8192xi32, #tpu.memory_space<hbm>> -> memref<32xi32, #tpu.memory_space<hbm>>
    %dma_start3A_270 = arith.constant 0 : i32
    %dma_start3A_271 = tpu.memref_slice %arg5[%dma_start3A_265, %dma_start3A_270] : memref<4x32xi32, #tpu.memory_space<vmem>> -> memref<1x32xi32, #tpu.memory_space<vmem>>
    %dma_start3A_272 = tpu.memref_squeeze %dma_start3A_271 : memref<1x32xi32, #tpu.memory_space<vmem>> -> memref<32xi32, #tpu.memory_space<vmem>>
    %dma_start3A_273 = tpu.memref_slice %arg3[%add3A_264] : memref<8192xi32, #tpu.memory_space<hbm>> -> memref<32xi32, #tpu.memory_space<hbm>>
    tpu.enqueue_dma source(%dma_start3A_273 : memref<32xi32, #tpu.memory_space<hbm>>) target(%dma_start3A_272 : memref<32xi32, #tpu.memory_space<vmem>>) target_semaphore(%arg9 : memref<!tpu.dma_semaphore, #tpu.memory_space<semaphore_mem>>)
    %add3A_274 = arith.constant 64 : i32
    %add3A_275 = arith.addi %mul3A_2, %add3A_274 : i32
    %dma_start3A_276 = arith.constant 2 : i32
    %dma_start3A_277 = arith.constant 0 : i32
    %dma_start3A_278 = arith.constant 0 : i32
    %dma_start3A_279 = tpu.memref_slice %arg6[%dma_start3A_276, %dma_start3A_277, %dma_start3A_278] : memref<4x32x768xf32, #tpu.memory_space<vmem>> -> memref<1x32x768xf32, #tpu.memory_space<vmem>>
    %dma_start3A_280 = tpu.memref_squeeze %dma_start3A_279 : memref<1x32x768xf32, #tpu.memory_space<vmem>> -> memref<32x768xf32, #tpu.memory_space<vmem>>
    %dma_start3A_281 = arith.constant 0 : i32
    %dma_start3A_282 = tpu.memref_slice %arg4[%add3A_275, %dma_start3A_281] : memref<8192x768xf32, #tpu.memory_space<hbm>> -> memref<32x768xf32, #tpu.memory_space<hbm>>
    %dma_start3A_283 = arith.constant 0 : i32
    %dma_start3A_284 = tpu.memref_slice %arg4[%add3A_275, %dma_start3A_283] : memref<8192x768xf32, #tpu.memory_space<hbm>> -> memref<32x768xf32, #tpu.memory_space<hbm>>
    %dma_start3A_285 = arith.constant 0 : i32
    %dma_start3A_286 = arith.constant 0 : i32
    %dma_start3A_287 = tpu.memref_slice %arg6[%dma_start3A_276, %dma_start3A_285, %dma_start3A_286] : memref<4x32x768xf32, #tpu.memory_space<vmem>> -> memref<1x32x768xf32, #tpu.memory_space<vmem>>
    %dma_start3A_288 = tpu.memref_squeeze %dma_start3A_287 : memref<1x32x768xf32, #tpu.memory_space<vmem>> -> memref<32x768xf32, #tpu.memory_space<vmem>>
    tpu.enqueue_dma source(%dma_start3A_288 : memref<32x768xf32, #tpu.memory_space<vmem>>) target(%dma_start3A_284 : memref<32x768xf32, #tpu.memory_space<hbm>>) target_semaphore(%arg17 : memref<!tpu.dma_semaphore, #tpu.memory_space<semaphore_mem>>)
    %add3A_289 = arith.constant 160 : i32
    %add3A_290 = arith.addi %mul3A_2, %add3A_289 : i32
    %dma_wait3A_291 = arith.constant 1 : i32
    %dma_wait3A_292 = arith.constant 0 : i32
    %dma_wait3A_293 = tpu.memref_slice %arg5[%dma_wait3A_291, %dma_wait3A_292] : memref<4x32xi32, #tpu.memory_space<vmem>> -> memref<1x32xi32, #tpu.memory_space<vmem>>
    %dma_wait3A_294 = tpu.memref_squeeze %dma_wait3A_293 : memref<1x32xi32, #tpu.memory_space<vmem>> -> memref<32xi32, #tpu.memory_space<vmem>>
    %dma_wait3A_295 = tpu.memref_slice %arg3[%add3A_290] : memref<8192xi32, #tpu.memory_space<hbm>> -> memref<32xi32, #tpu.memory_space<hbm>>
    %dma_wait3A_296 = arith.constant 0 : i32
    %dma_wait3A_297 = tpu.memref_slice %arg5[%dma_wait3A_291, %dma_wait3A_296] : memref<4x32xi32, #tpu.memory_space<vmem>> -> memref<1x32xi32, #tpu.memory_space<vmem>>
    %dma_wait3A_298 = tpu.memref_squeeze %dma_wait3A_297 : memref<1x32xi32, #tpu.memory_space<vmem>> -> memref<32xi32, #tpu.memory_space<vmem>>
    %dma_wait3A_299 = tpu.memref_slice %arg3[%add3A_290] : memref<8192xi32, #tpu.memory_space<hbm>> -> memref<32xi32, #tpu.memory_space<hbm>>
    tpu.wait_dma2 semaphore(%arg8 : memref<!tpu.dma_semaphore, #tpu.memory_space<semaphore_mem>>) src(%dma_wait3A_299 : memref<32xi32, #tpu.memory_space<hbm>>) dst(%dma_wait3A_298 : memref<32xi32, #tpu.memory_space<vmem>>)
    %add3A_300 = arith.constant 32 : i32
    %add3A_301 = arith.addi %mul3A_2, %add3A_300 : i32
    %dma_wait3A_302 = arith.constant 1 : i32
    %dma_wait3A_303 = arith.constant 0 : i32
    %dma_wait3A_304 = arith.constant 0 : i32
    %dma_wait3A_305 = tpu.memref_slice %arg6[%dma_wait3A_302, %dma_wait3A_303, %dma_wait3A_304] : memref<4x32x768xf32, #tpu.memory_space<vmem>> -> memref<1x32x768xf32, #tpu.memory_space<vmem>>
    %dma_wait3A_306 = tpu.memref_squeeze %dma_wait3A_305 : memref<1x32x768xf32, #tpu.memory_space<vmem>> -> memref<32x768xf32, #tpu.memory_space<vmem>>
    %dma_wait3A_307 = arith.constant 0 : i32
    %dma_wait3A_308 = tpu.memref_slice %arg4[%add3A_301, %dma_wait3A_307] : memref<8192x768xf32, #tpu.memory_space<hbm>> -> memref<32x768xf32, #tpu.memory_space<hbm>>
    %dma_wait3A_309 = arith.constant 0 : i32
    %dma_wait3A_310 = tpu.memref_slice %arg4[%add3A_301, %dma_wait3A_309] : memref<8192x768xf32, #tpu.memory_space<hbm>> -> memref<32x768xf32, #tpu.memory_space<hbm>>
    %dma_wait3A_311 = arith.constant 0 : i32
    %dma_wait3A_312 = arith.constant 0 : i32
    %dma_wait3A_313 = tpu.memref_slice %arg6[%dma_wait3A_302, %dma_wait3A_311, %dma_wait3A_312] : memref<4x32x768xf32, #tpu.memory_space<vmem>> -> memref<1x32x768xf32, #tpu.memory_space<vmem>>
    %dma_wait3A_314 = tpu.memref_squeeze %dma_wait3A_313 : memref<1x32x768xf32, #tpu.memory_space<vmem>> -> memref<32x768xf32, #tpu.memory_space<vmem>>
    tpu.wait_dma2 semaphore(%arg16 : memref<!tpu.dma_semaphore, #tpu.memory_space<semaphore_mem>>) src(%dma_wait3A_314 : memref<32x768xf32, #tpu.memory_space<vmem>>) dst(%dma_wait3A_310 : memref<32x768xf32, #tpu.memory_space<hbm>>)
    %dma_start3A_315 = arith.constant 1 : i32
    %dma_start3A_316 = arith.constant 1 : i32
    %dma_start3A_317 = arith.constant 0 : i32
    %dma_start3A_318 = arith.constant 0 : i32
    %dma_start3A_319 = tpu.memref_slice %arg6[%dma_start3A_316, %dma_start3A_317, %dma_start3A_318] : memref<4x32x768xf32, #tpu.memory_space<vmem>> -> memref<1x32x768xf32, #tpu.memory_space<vmem>>
    %dma_start3A_320 = tpu.memref_squeeze %dma_start3A_319 : memref<1x32x768xf32, #tpu.memory_space<vmem>> -> memref<32x768xf32, #tpu.memory_space<vmem>>
    %dma_start3A_321 = arith.constant 0 : i32
    %dma_start3A_322 = tpu.memref_slice %arg5[%dma_start3A_315, %dma_start3A_321] : memref<4x32xi32, #tpu.memory_space<vmem>> -> memref<1x32xi32, #tpu.memory_space<vmem>>
    %dma_start3A_323 = tpu.memref_squeeze %dma_start3A_322 : memref<1x32xi32, #tpu.memory_space<vmem>> -> memref<32xi32, #tpu.memory_space<vmem>>
    %dma_start3A_324 = arith.constant 0 : i32
    %dma_start3A_325 = arith.constant 0 : i32
    %dma_start3A_326 = tpu.memref_slice %arg2[%dma_start3A_324, %dma_start3A_325] : memref<100000x768xf32, #tpu.memory_space<hbm>> -> memref<100000x768xf32, #tpu.memory_space<hbm>>
    tpu.enqueue_indirect_dma source(%dma_start3A_326 : memref<100000x768xf32, #tpu.memory_space<hbm>>) target(%dma_start3A_320 : memref<32x768xf32, #tpu.memory_space<vmem>>) offsets(%dma_start3A_323 : memref<32xi32, #tpu.memory_space<vmem>>) semaphore(%arg12 : memref<!tpu.dma_semaphore, #tpu.memory_space<semaphore_mem>>)
    %dma_wait3A_327 = arith.constant 3 : i32
    %dma_wait3A_328 = arith.constant 3 : i32
    %dma_wait3A_329 = arith.constant 0 : i32
    %dma_wait3A_330 = arith.constant 0 : i32
    %dma_wait3A_331 = tpu.memref_slice %arg6[%dma_wait3A_328, %dma_wait3A_329, %dma_wait3A_330] : memref<4x32x768xf32, #tpu.memory_space<vmem>> -> memref<1x32x768xf32, #tpu.memory_space<vmem>>
    %dma_wait3A_332 = tpu.memref_squeeze %dma_wait3A_331 : memref<1x32x768xf32, #tpu.memory_space<vmem>> -> memref<32x768xf32, #tpu.memory_space<vmem>>
    %dma_wait3A_333 = arith.constant 0 : i32
    %dma_wait3A_334 = tpu.memref_slice %arg5[%dma_wait3A_327, %dma_wait3A_333] : memref<4x32xi32, #tpu.memory_space<vmem>> -> memref<1x32xi32, #tpu.memory_space<vmem>>
    %dma_wait3A_335 = tpu.memref_squeeze %dma_wait3A_334 : memref<1x32xi32, #tpu.memory_space<vmem>> -> memref<32xi32, #tpu.memory_space<vmem>>
    %dma_wait3A_336 = arith.constant 0 : i32
    %dma_wait3A_337 = arith.constant 0 : i32
    %dma_wait3A_338 = tpu.memref_slice %arg2[%dma_wait3A_336, %dma_wait3A_337] : memref<100000x768xf32, #tpu.memory_space<hbm>> -> memref<100000x768xf32, #tpu.memory_space<hbm>>
    tpu.wait_indirect_dma semaphore(%arg14 : memref<!tpu.dma_semaphore, #tpu.memory_space<semaphore_mem>>) src(%dma_wait3A_338 : memref<100000x768xf32, #tpu.memory_space<hbm>>) dst(%dma_wait3A_332 : memref<32x768xf32, #tpu.memory_space<vmem>>)
    %add3A_339 = arith.constant 224 : i32
    %add3A_340 = arith.addi %mul3A_2, %add3A_339 : i32
    %dma_start3A_341 = arith.constant 3 : i32
    %dma_start3A_342 = arith.constant 0 : i32
    %dma_start3A_343 = tpu.memref_slice %arg5[%dma_start3A_341, %dma_start3A_342] : memref<4x32xi32, #tpu.memory_space<vmem>> -> memref<1x32xi32, #tpu.memory_space<vmem>>
    %dma_start3A_344 = tpu.memref_squeeze %dma_start3A_343 : memref<1x32xi32, #tpu.memory_space<vmem>> -> memref<32xi32, #tpu.memory_space<vmem>>
    %dma_start3A_345 = tpu.memref_slice %arg3[%add3A_340] : memref<8192xi32, #tpu.memory_space<hbm>> -> memref<32xi32, #tpu.memory_space<hbm>>
    %dma_start3A_346 = arith.constant 0 : i32
    %dma_start3A_347 = tpu.memref_slice %arg5[%dma_start3A_341, %dma_start3A_346] : memref<4x32xi32, #tpu.memory_space<vmem>> -> memref<1x32xi32, #tpu.memory_space<vmem>>
    %dma_start3A_348 = tpu.memref_squeeze %dma_start3A_347 : memref<1x32xi32, #tpu.memory_space<vmem>> -> memref<32xi32, #tpu.memory_space<vmem>>
    %dma_start3A_349 = tpu.memref_slice %arg3[%add3A_340] : memref<8192xi32, #tpu.memory_space<hbm>> -> memref<32xi32, #tpu.memory_space<hbm>>
    tpu.enqueue_dma source(%dma_start3A_349 : memref<32xi32, #tpu.memory_space<hbm>>) target(%dma_start3A_348 : memref<32xi32, #tpu.memory_space<vmem>>) target_semaphore(%arg10 : memref<!tpu.dma_semaphore, #tpu.memory_space<semaphore_mem>>)
    %add3A_350 = arith.constant 96 : i32
    %add3A_351 = arith.addi %mul3A_2, %add3A_350 : i32
    %dma_start3A_352 = arith.constant 3 : i32
    %dma_start3A_353 = arith.constant 0 : i32
    %dma_start3A_354 = arith.constant 0 : i32
    %dma_start3A_355 = tpu.memref_slice %arg6[%dma_start3A_352, %dma_start3A_353, %dma_start3A_354] : memref<4x32x768xf32, #tpu.memory_space<vmem>> -> memref<1x32x768xf32, #tpu.memory_space<vmem>>
    %dma_start3A_356 = tpu.memref_squeeze %dma_start3A_355 : memref<1x32x768xf32, #tpu.memory_space<vmem>> -> memref<32x768xf32, #tpu.memory_space<vmem>>
    %dma_start3A_357 = arith.constant 0 : i32
    %dma_start3A_358 = tpu.memref_slice %arg4[%add3A_351, %dma_start3A_357] : memref<8192x768xf32, #tpu.memory_space<hbm>> -> memref<32x768xf32, #tpu.memory_space<hbm>>
    %dma_start3A_359 = arith.constant 0 : i32
    %dma_start3A_360 = tpu.memref_slice %arg4[%add3A_351, %dma_start3A_359] : memref<8192x768xf32, #tpu.memory_space<hbm>> -> memref<32x768xf32, #tpu.memory_space<hbm>>
    %dma_start3A_361 = arith.constant 0 : i32
    %dma_start3A_362 = arith.constant 0 : i32
    %dma_start3A_363 = tpu.memref_slice %arg6[%dma_start3A_352, %dma_start3A_361, %dma_start3A_362] : memref<4x32x768xf32, #tpu.memory_space<vmem>> -> memref<1x32x768xf32, #tpu.memory_space<vmem>>
    %dma_start3A_364 = tpu.memref_squeeze %dma_start3A_363 : memref<1x32x768xf32, #tpu.memory_space<vmem>> -> memref<32x768xf32, #tpu.memory_space<vmem>>
    tpu.enqueue_dma source(%dma_start3A_364 : memref<32x768xf32, #tpu.memory_space<vmem>>) target(%dma_start3A_360 : memref<32x768xf32, #tpu.memory_space<hbm>>) target_semaphore(%arg18 : memref<!tpu.dma_semaphore, #tpu.memory_space<semaphore_mem>>)
    %add3A_365 = arith.constant 192 : i32
    %add3A_366 = arith.addi %mul3A_2, %add3A_365 : i32
    %dma_wait3A_367 = arith.constant 2 : i32
    %dma_wait3A_368 = arith.constant 0 : i32
    %dma_wait3A_369 = tpu.memref_slice %arg5[%dma_wait3A_367, %dma_wait3A_368] : memref<4x32xi32, #tpu.memory_space<vmem>> -> memref<1x32xi32, #tpu.memory_space<vmem>>
    %dma_wait3A_370 = tpu.memref_squeeze %dma_wait3A_369 : memref<1x32xi32, #tpu.memory_space<vmem>> -> memref<32xi32, #tpu.memory_space<vmem>>
    %dma_wait3A_371 = tpu.memref_slice %arg3[%add3A_366] : memref<8192xi32, #tpu.memory_space<hbm>> -> memref<32xi32, #tpu.memory_space<hbm>>
    %dma_wait3A_372 = arith.constant 0 : i32
    %dma_wait3A_373 = tpu.memref_slice %arg5[%dma_wait3A_367, %dma_wait3A_372] : memref<4x32xi32, #tpu.memory_space<vmem>> -> memref<1x32xi32, #tpu.memory_space<vmem>>
    %dma_wait3A_374 = tpu.memref_squeeze %dma_wait3A_373 : memref<1x32xi32, #tpu.memory_space<vmem>> -> memref<32xi32, #tpu.memory_space<vmem>>
    %dma_wait3A_375 = tpu.memref_slice %arg3[%add3A_366] : memref<8192xi32, #tpu.memory_space<hbm>> -> memref<32xi32, #tpu.memory_space<hbm>>
    tpu.wait_dma2 semaphore(%arg9 : memref<!tpu.dma_semaphore, #tpu.memory_space<semaphore_mem>>) src(%dma_wait3A_375 : memref<32xi32, #tpu.memory_space<hbm>>) dst(%dma_wait3A_374 : memref<32xi32, #tpu.memory_space<vmem>>)
    %add3A_376 = arith.constant 64 : i32
    %add3A_377 = arith.addi %mul3A_2, %add3A_376 : i32
    %dma_wait3A_378 = arith.constant 2 : i32
    %dma_wait3A_379 = arith.constant 0 : i32
    %dma_wait3A_380 = arith.constant 0 : i32
    %dma_wait3A_381 = tpu.memref_slice %arg6[%dma_wait3A_378, %dma_wait3A_379, %dma_wait3A_380] : memref<4x32x768xf32, #tpu.memory_space<vmem>> -> memref<1x32x768xf32, #tpu.memory_space<vmem>>
    %dma_wait3A_382 = tpu.memref_squeeze %dma_wait3A_381 : memref<1x32x768xf32, #tpu.memory_space<vmem>> -> memref<32x768xf32, #tpu.memory_space<vmem>>
    %dma_wait3A_383 = arith.constant 0 : i32
    %dma_wait3A_384 = tpu.memref_slice %arg4[%add3A_377, %dma_wait3A_383] : memref<8192x768xf32, #tpu.memory_space<hbm>> -> memref<32x768xf32, #tpu.memory_space<hbm>>
    %dma_wait3A_385 = arith.constant 0 : i32
    %dma_wait3A_386 = tpu.memref_slice %arg4[%add3A_377, %dma_wait3A_385] : memref<8192x768xf32, #tpu.memory_space<hbm>> -> memref<32x768xf32, #tpu.memory_space<hbm>>
    %dma_wait3A_387 = arith.constant 0 : i32
    %dma_wait3A_388 = arith.constant 0 : i32
    %dma_wait3A_389 = tpu.memref_slice %arg6[%dma_wait3A_378, %dma_wait3A_387, %dma_wait3A_388] : memref<4x32x768xf32, #tpu.memory_space<vmem>> -> memref<1x32x768xf32, #tpu.memory_space<vmem>>
    %dma_wait3A_390 = tpu.memref_squeeze %dma_wait3A_389 : memref<1x32x768xf32, #tpu.memory_space<vmem>> -> memref<32x768xf32, #tpu.memory_space<vmem>>
    tpu.wait_dma2 semaphore(%arg17 : memref<!tpu.dma_semaphore, #tpu.memory_space<semaphore_mem>>) src(%dma_wait3A_390 : memref<32x768xf32, #tpu.memory_space<vmem>>) dst(%dma_wait3A_386 : memref<32x768xf32, #tpu.memory_space<hbm>>)
    %dma_start3A_391 = arith.constant 2 : i32
    %dma_start3A_392 = arith.constant 2 : i32
    %dma_start3A_393 = arith.constant 0 : i32
    %dma_start3A_394 = arith.constant 0 : i32
    %dma_start3A_395 = tpu.memref_slice %arg6[%dma_start3A_392, %dma_start3A_393, %dma_start3A_394] : memref<4x32x768xf32, #tpu.memory_space<vmem>> -> memref<1x32x768xf32, #tpu.memory_space<vmem>>
    %dma_start3A_396 = tpu.memref_squeeze %dma_start3A_395 : memref<1x32x768xf32, #tpu.memory_space<vmem>> -> memref<32x768xf32, #tpu.memory_space<vmem>>
    %dma_start3A_397 = arith.constant 0 : i32
    %dma_start3A_398 = tpu.memref_slice %arg5[%dma_start3A_391, %dma_start3A_397] : memref<4x32xi32, #tpu.memory_space<vmem>> -> memref<1x32xi32, #tpu.memory_space<vmem>>
    %dma_start3A_399 = tpu.memref_squeeze %dma_start3A_398 : memref<1x32xi32, #tpu.memory_space<vmem>> -> memref<32xi32, #tpu.memory_space<vmem>>
    %dma_start3A_400 = arith.constant 0 : i32
    %dma_start3A_401 = arith.constant 0 : i32
    %dma_start3A_402 = tpu.memref_slice %arg2[%dma_start3A_400, %dma_start3A_401] : memref<100000x768xf32, #tpu.memory_space<hbm>> -> memref<100000x768xf32, #tpu.memory_space<hbm>>
    tpu.enqueue_indirect_dma source(%dma_start3A_402 : memref<100000x768xf32, #tpu.memory_space<hbm>>) target(%dma_start3A_396 : memref<32x768xf32, #tpu.memory_space<vmem>>) offsets(%dma_start3A_399 : memref<32xi32, #tpu.memory_space<vmem>>) semaphore(%arg13 : memref<!tpu.dma_semaphore, #tpu.memory_space<semaphore_mem>>)
    %dma_wait3A_403 = arith.constant 0 : i32
    %dma_wait3A_404 = arith.constant 0 : i32
    %dma_wait3A_405 = arith.constant 0 : i32
    %dma_wait3A_406 = arith.constant 0 : i32
    %dma_wait3A_407 = tpu.memref_slice %arg6[%dma_wait3A_404, %dma_wait3A_405, %dma_wait3A_406] : memref<4x32x768xf32, #tpu.memory_space<vmem>> -> memref<1x32x768xf32, #tpu.memory_space<vmem>>
    %dma_wait3A_408 = tpu.memref_squeeze %dma_wait3A_407 : memref<1x32x768xf32, #tpu.memory_space<vmem>> -> memref<32x768xf32, #tpu.memory_space<vmem>>
    %dma_wait3A_409 = arith.constant 0 : i32
    %dma_wait3A_410 = tpu.memref_slice %arg5[%dma_wait3A_403, %dma_wait3A_409] : memref<4x32xi32, #tpu.memory_space<vmem>> -> memref<1x32xi32, #tpu.memory_space<vmem>>
    %dma_wait3A_411 = tpu.memref_squeeze %dma_wait3A_410 : memref<1x32xi32, #tpu.memory_space<vmem>> -> memref<32xi32, #tpu.memory_space<vmem>>
    %dma_wait3A_412 = arith.constant 0 : i32
    %dma_wait3A_413 = arith.constant 0 : i32
    %dma_wait3A_414 = tpu.memref_slice %arg2[%dma_wait3A_412, %dma_wait3A_413] : memref<100000x768xf32, #tpu.memory_space<hbm>> -> memref<100000x768xf32, #tpu.memory_space<hbm>>
    tpu.wait_indirect_dma semaphore(%arg11 : memref<!tpu.dma_semaphore, #tpu.memory_space<semaphore_mem>>) src(%dma_wait3A_414 : memref<100000x768xf32, #tpu.memory_space<hbm>>) dst(%dma_wait3A_408 : memref<32x768xf32, #tpu.memory_space<vmem>>)
    %add3A_415 = arith.constant 128 : i32
    %add3A_416 = arith.addi %mul3A_2, %add3A_415 : i32
    %dma_start3A_417 = arith.constant 0 : i32
    %dma_start3A_418 = arith.constant 0 : i32
    %dma_start3A_419 = arith.constant 0 : i32
    %dma_start3A_420 = tpu.memref_slice %arg6[%dma_start3A_417, %dma_start3A_418, %dma_start3A_419] : memref<4x32x768xf32, #tpu.memory_space<vmem>> -> memref<1x32x768xf32, #tpu.memory_space<vmem>>
    %dma_start3A_421 = tpu.memref_squeeze %dma_start3A_420 : memref<1x32x768xf32, #tpu.memory_space<vmem>> -> memref<32x768xf32, #tpu.memory_space<vmem>>
    %dma_start3A_422 = arith.constant 0 : i32
    %dma_start3A_423 = tpu.memref_slice %arg4[%add3A_416, %dma_start3A_422] : memref<8192x768xf32, #tpu.memory_space<hbm>> -> memref<32x768xf32, #tpu.memory_space<hbm>>
    %dma_start3A_424 = arith.constant 0 : i32
    %dma_start3A_425 = tpu.memref_slice %arg4[%add3A_416, %dma_start3A_424] : memref<8192x768xf32, #tpu.memory_space<hbm>> -> memref<32x768xf32, #tpu.memory_space<hbm>>
    %dma_start3A_426 = arith.constant 0 : i32
    %dma_start3A_427 = arith.constant 0 : i32
    %dma_start3A_428 = tpu.memref_slice %arg6[%dma_start3A_417, %dma_start3A_426, %dma_start3A_427] : memref<4x32x768xf32, #tpu.memory_space<vmem>> -> memref<1x32x768xf32, #tpu.memory_space<vmem>>
    %dma_start3A_429 = tpu.memref_squeeze %dma_start3A_428 : memref<1x32x768xf32, #tpu.memory_space<vmem>> -> memref<32x768xf32, #tpu.memory_space<vmem>>
    tpu.enqueue_dma source(%dma_start3A_429 : memref<32x768xf32, #tpu.memory_space<vmem>>) target(%dma_start3A_425 : memref<32x768xf32, #tpu.memory_space<hbm>>) target_semaphore(%arg15 : memref<!tpu.dma_semaphore, #tpu.memory_space<semaphore_mem>>)
    %add3A_430 = arith.constant 224 : i32
    %add3A_431 = arith.addi %mul3A_2, %add3A_430 : i32
    %dma_wait3A_432 = arith.constant 3 : i32
    %dma_wait3A_433 = arith.constant 0 : i32
    %dma_wait3A_434 = tpu.memref_slice %arg5[%dma_wait3A_432, %dma_wait3A_433] : memref<4x32xi32, #tpu.memory_space<vmem>> -> memref<1x32xi32, #tpu.memory_space<vmem>>
    %dma_wait3A_435 = tpu.memref_squeeze %dma_wait3A_434 : memref<1x32xi32, #tpu.memory_space<vmem>> -> memref<32xi32, #tpu.memory_space<vmem>>
    %dma_wait3A_436 = tpu.memref_slice %arg3[%add3A_431] : memref<8192xi32, #tpu.memory_space<hbm>> -> memref<32xi32, #tpu.memory_space<hbm>>
    %dma_wait3A_437 = arith.constant 0 : i32
    %dma_wait3A_438 = tpu.memref_slice %arg5[%dma_wait3A_432, %dma_wait3A_437] : memref<4x32xi32, #tpu.memory_space<vmem>> -> memref<1x32xi32, #tpu.memory_space<vmem>>
    %dma_wait3A_439 = tpu.memref_squeeze %dma_wait3A_438 : memref<1x32xi32, #tpu.memory_space<vmem>> -> memref<32xi32, #tpu.memory_space<vmem>>
    %dma_wait3A_440 = tpu.memref_slice %arg3[%add3A_431] : memref<8192xi32, #tpu.memory_space<hbm>> -> memref<32xi32, #tpu.memory_space<hbm>>
    tpu.wait_dma2 semaphore(%arg10 : memref<!tpu.dma_semaphore, #tpu.memory_space<semaphore_mem>>) src(%dma_wait3A_440 : memref<32xi32, #tpu.memory_space<hbm>>) dst(%dma_wait3A_439 : memref<32xi32, #tpu.memory_space<vmem>>)
    %add3A_441 = arith.constant 96 : i32
    %add3A_442 = arith.addi %mul3A_2, %add3A_441 : i32
    %dma_wait3A_443 = arith.constant 3 : i32
    %dma_wait3A_444 = arith.constant 0 : i32
    %dma_wait3A_445 = arith.constant 0 : i32
    %dma_wait3A_446 = tpu.memref_slice %arg6[%dma_wait3A_443, %dma_wait3A_444, %dma_wait3A_445] : memref<4x32x768xf32, #tpu.memory_space<vmem>> -> memref<1x32x768xf32, #tpu.memory_space<vmem>>
    %dma_wait3A_447 = tpu.memref_squeeze %dma_wait3A_446 : memref<1x32x768xf32, #tpu.memory_space<vmem>> -> memref<32x768xf32, #tpu.memory_space<vmem>>
    %dma_wait3A_448 = arith.constant 0 : i32
    %dma_wait3A_449 = tpu.memref_slice %arg4[%add3A_442, %dma_wait3A_448] : memref<8192x768xf32, #tpu.memory_space<hbm>> -> memref<32x768xf32, #tpu.memory_space<hbm>>
    %dma_wait3A_450 = arith.constant 0 : i32
    %dma_wait3A_451 = tpu.memref_slice %arg4[%add3A_442, %dma_wait3A_450] : memref<8192x768xf32, #tpu.memory_space<hbm>> -> memref<32x768xf32, #tpu.memory_space<hbm>>
    %dma_wait3A_452 = arith.constant 0 : i32
    %dma_wait3A_453 = arith.constant 0 : i32
    %dma_wait3A_454 = tpu.memref_slice %arg6[%dma_wait3A_443, %dma_wait3A_452, %dma_wait3A_453] : memref<4x32x768xf32, #tpu.memory_space<vmem>> -> memref<1x32x768xf32, #tpu.memory_space<vmem>>
    %dma_wait3A_455 = tpu.memref_squeeze %dma_wait3A_454 : memref<1x32x768xf32, #tpu.memory_space<vmem>> -> memref<32x768xf32, #tpu.memory_space<vmem>>
    tpu.wait_dma2 semaphore(%arg18 : memref<!tpu.dma_semaphore, #tpu.memory_space<semaphore_mem>>) src(%dma_wait3A_455 : memref<32x768xf32, #tpu.memory_space<vmem>>) dst(%dma_wait3A_451 : memref<32x768xf32, #tpu.memory_space<hbm>>)
    %dma_start3A_456 = arith.constant 3 : i32
    %dma_start3A_457 = arith.constant 3 : i32
    %dma_start3A_458 = arith.constant 0 : i32
    %dma_start3A_459 = arith.constant 0 : i32
    %dma_start3A_460 = tpu.memref_slice %arg6[%dma_start3A_457, %dma_start3A_458, %dma_start3A_459] : memref<4x32x768xf32, #tpu.memory_space<vmem>> -> memref<1x32x768xf32, #tpu.memory_space<vmem>>
    %dma_start3A_461 = tpu.memref_squeeze %dma_start3A_460 : memref<1x32x768xf32, #tpu.memory_space<vmem>> -> memref<32x768xf32, #tpu.memory_space<vmem>>
    %dma_start3A_462 = arith.constant 0 : i32
    %dma_start3A_463 = tpu.memref_slice %arg5[%dma_start3A_456, %dma_start3A_462] : memref<4x32xi32, #tpu.memory_space<vmem>> -> memref<1x32xi32, #tpu.memory_space<vmem>>
    %dma_start3A_464 = tpu.memref_squeeze %dma_start3A_463 : memref<1x32xi32, #tpu.memory_space<vmem>> -> memref<32xi32, #tpu.memory_space<vmem>>
    %dma_start3A_465 = arith.constant 0 : i32
    %dma_start3A_466 = arith.constant 0 : i32
    %dma_start3A_467 = tpu.memref_slice %arg2[%dma_start3A_465, %dma_start3A_466] : memref<100000x768xf32, #tpu.memory_space<hbm>> -> memref<100000x768xf32, #tpu.memory_space<hbm>>
    tpu.enqueue_indirect_dma source(%dma_start3A_467 : memref<100000x768xf32, #tpu.memory_space<hbm>>) target(%dma_start3A_461 : memref<32x768xf32, #tpu.memory_space<vmem>>) offsets(%dma_start3A_464 : memref<32xi32, #tpu.memory_space<vmem>>) semaphore(%arg14 : memref<!tpu.dma_semaphore, #tpu.memory_space<semaphore_mem>>)
    %dma_wait3A_468 = arith.constant 1 : i32
    %dma_wait3A_469 = arith.constant 1 : i32
    %dma_wait3A_470 = arith.constant 0 : i32
    %dma_wait3A_471 = arith.constant 0 : i32
    %dma_wait3A_472 = tpu.memref_slice %arg6[%dma_wait3A_469, %dma_wait3A_470, %dma_wait3A_471] : memref<4x32x768xf32, #tpu.memory_space<vmem>> -> memref<1x32x768xf32, #tpu.memory_space<vmem>>
    %dma_wait3A_473 = tpu.memref_squeeze %dma_wait3A_472 : memref<1x32x768xf32, #tpu.memory_space<vmem>> -> memref<32x768xf32, #tpu.memory_space<vmem>>
    %dma_wait3A_474 = arith.constant 0 : i32
    %dma_wait3A_475 = tpu.memref_slice %arg5[%dma_wait3A_468, %dma_wait3A_474] : memref<4x32xi32, #tpu.memory_space<vmem>> -> memref<1x32xi32, #tpu.memory_space<vmem>>
    %dma_wait3A_476 = tpu.memref_squeeze %dma_wait3A_475 : memref<1x32xi32, #tpu.memory_space<vmem>> -> memref<32xi32, #tpu.memory_space<vmem>>
    %dma_wait3A_477 = arith.constant 0 : i32
    %dma_wait3A_478 = arith.constant 0 : i32
    %dma_wait3A_479 = tpu.memref_slice %arg2[%dma_wait3A_477, %dma_wait3A_478] : memref<100000x768xf32, #tpu.memory_space<hbm>> -> memref<100000x768xf32, #tpu.memory_space<hbm>>
    tpu.wait_indirect_dma semaphore(%arg12 : memref<!tpu.dma_semaphore, #tpu.memory_space<semaphore_mem>>) src(%dma_wait3A_479 : memref<100000x768xf32, #tpu.memory_space<hbm>>) dst(%dma_wait3A_473 : memref<32x768xf32, #tpu.memory_space<vmem>>)
    %add3A_480 = arith.constant 160 : i32
    %add3A_481 = arith.addi %mul3A_2, %add3A_480 : i32
    %dma_start3A_482 = arith.constant 1 : i32
    %dma_start3A_483 = arith.constant 0 : i32
    %dma_start3A_484 = arith.constant 0 : i32
    %dma_start3A_485 = tpu.memref_slice %arg6[%dma_start3A_482, %dma_start3A_483, %dma_start3A_484] : memref<4x32x768xf32, #tpu.memory_space<vmem>> -> memref<1x32x768xf32, #tpu.memory_space<vmem>>
    %dma_start3A_486 = tpu.memref_squeeze %dma_start3A_485 : memref<1x32x768xf32, #tpu.memory_space<vmem>> -> memref<32x768xf32, #tpu.memory_space<vmem>>
    %dma_start3A_487 = arith.constant 0 : i32
    %dma_start3A_488 = tpu.memref_slice %arg4[%add3A_481, %dma_start3A_487] : memref<8192x768xf32, #tpu.memory_space<hbm>> -> memref<32x768xf32, #tpu.memory_space<hbm>>
    %dma_start3A_489 = arith.constant 0 : i32
    %dma_start3A_490 = tpu.memref_slice %arg4[%add3A_481, %dma_start3A_489] : memref<8192x768xf32, #tpu.memory_space<hbm>> -> memref<32x768xf32, #tpu.memory_space<hbm>>
    %dma_start3A_491 = arith.constant 0 : i32
    %dma_start3A_492 = arith.constant 0 : i32
    %dma_start3A_493 = tpu.memref_slice %arg6[%dma_start3A_482, %dma_start3A_491, %dma_start3A_492] : memref<4x32x768xf32, #tpu.memory_space<vmem>> -> memref<1x32x768xf32, #tpu.memory_space<vmem>>
    %dma_start3A_494 = tpu.memref_squeeze %dma_start3A_493 : memref<1x32x768xf32, #tpu.memory_space<vmem>> -> memref<32x768xf32, #tpu.memory_space<vmem>>
    tpu.enqueue_dma source(%dma_start3A_494 : memref<32x768xf32, #tpu.memory_space<vmem>>) target(%dma_start3A_490 : memref<32x768xf32, #tpu.memory_space<hbm>>) target_semaphore(%arg16 : memref<!tpu.dma_semaphore, #tpu.memory_space<semaphore_mem>>)
    %dma_wait3A_495 = arith.constant 2 : i32
    %dma_wait3A_496 = arith.constant 2 : i32
    %dma_wait3A_497 = arith.constant 0 : i32
    %dma_wait3A_498 = arith.constant 0 : i32
    %dma_wait3A_499 = tpu.memref_slice %arg6[%dma_wait3A_496, %dma_wait3A_497, %dma_wait3A_498] : memref<4x32x768xf32, #tpu.memory_space<vmem>> -> memref<1x32x768xf32, #tpu.memory_space<vmem>>
    %dma_wait3A_500 = tpu.memref_squeeze %dma_wait3A_499 : memref<1x32x768xf32, #tpu.memory_space<vmem>> -> memref<32x768xf32, #tpu.memory_space<vmem>>
    %dma_wait3A_501 = arith.constant 0 : i32
    %dma_wait3A_502 = tpu.memref_slice %arg5[%dma_wait3A_495, %dma_wait3A_501] : memref<4x32xi32, #tpu.memory_space<vmem>> -> memref<1x32xi32, #tpu.memory_space<vmem>>
    %dma_wait3A_503 = tpu.memref_squeeze %dma_wait3A_502 : memref<1x32xi32, #tpu.memory_space<vmem>> -> memref<32xi32, #tpu.memory_space<vmem>>
    %dma_wait3A_504 = arith.constant 0 : i32
    %dma_wait3A_505 = arith.constant 0 : i32
    %dma_wait3A_506 = tpu.memref_slice %arg2[%dma_wait3A_504, %dma_wait3A_505] : memref<100000x768xf32, #tpu.memory_space<hbm>> -> memref<100000x768xf32, #tpu.memory_space<hbm>>
    tpu.wait_indirect_dma semaphore(%arg13 : memref<!tpu.dma_semaphore, #tpu.memory_space<semaphore_mem>>) src(%dma_wait3A_506 : memref<100000x768xf32, #tpu.memory_space<hbm>>) dst(%dma_wait3A_500 : memref<32x768xf32, #tpu.memory_space<vmem>>)
    %add3A_507 = arith.constant 192 : i32
    %add3A_508 = arith.addi %mul3A_2, %add3A_507 : i32
    %dma_start3A_509 = arith.constant 2 : i32
    %dma_start3A_510 = arith.constant 0 : i32
    %dma_start3A_511 = arith.constant 0 : i32
    %dma_start3A_512 = tpu.memref_slice %arg6[%dma_start3A_509, %dma_start3A_510, %dma_start3A_511] : memref<4x32x768xf32, #tpu.memory_space<vmem>> -> memref<1x32x768xf32, #tpu.memory_space<vmem>>
    %dma_start3A_513 = tpu.memref_squeeze %dma_start3A_512 : memref<1x32x768xf32, #tpu.memory_space<vmem>> -> memref<32x768xf32, #tpu.memory_space<vmem>>
    %dma_start3A_514 = arith.constant 0 : i32
    %dma_start3A_515 = tpu.memref_slice %arg4[%add3A_508, %dma_start3A_514] : memref<8192x768xf32, #tpu.memory_space<hbm>> -> memref<32x768xf32, #tpu.memory_space<hbm>>
    %dma_start3A_516 = arith.constant 0 : i32
    %dma_start3A_517 = tpu.memref_slice %arg4[%add3A_508, %dma_start3A_516] : memref<8192x768xf32, #tpu.memory_space<hbm>> -> memref<32x768xf32, #tpu.memory_space<hbm>>
    %dma_start3A_518 = arith.constant 0 : i32
    %dma_start3A_519 = arith.constant 0 : i32
    %dma_start3A_520 = tpu.memref_slice %arg6[%dma_start3A_509, %dma_start3A_518, %dma_start3A_519] : memref<4x32x768xf32, #tpu.memory_space<vmem>> -> memref<1x32x768xf32, #tpu.memory_space<vmem>>
    %dma_start3A_521 = tpu.memref_squeeze %dma_start3A_520 : memref<1x32x768xf32, #tpu.memory_space<vmem>> -> memref<32x768xf32, #tpu.memory_space<vmem>>
    tpu.enqueue_dma source(%dma_start3A_521 : memref<32x768xf32, #tpu.memory_space<vmem>>) target(%dma_start3A_517 : memref<32x768xf32, #tpu.memory_space<hbm>>) target_semaphore(%arg17 : memref<!tpu.dma_semaphore, #tpu.memory_space<semaphore_mem>>)
    %dma_wait3A_522 = arith.constant 3 : i32
    %dma_wait3A_523 = arith.constant 3 : i32
    %dma_wait3A_524 = arith.constant 0 : i32
    %dma_wait3A_525 = arith.constant 0 : i32
    %dma_wait3A_526 = tpu.memref_slice %arg6[%dma_wait3A_523, %dma_wait3A_524, %dma_wait3A_525] : memref<4x32x768xf32, #tpu.memory_space<vmem>> -> memref<1x32x768xf32, #tpu.memory_space<vmem>>
    %dma_wait3A_527 = tpu.memref_squeeze %dma_wait3A_526 : memref<1x32x768xf32, #tpu.memory_space<vmem>> -> memref<32x768xf32, #tpu.memory_space<vmem>>
    %dma_wait3A_528 = arith.constant 0 : i32
    %dma_wait3A_529 = tpu.memref_slice %arg5[%dma_wait3A_522, %dma_wait3A_528] : memref<4x32xi32, #tpu.memory_space<vmem>> -> memref<1x32xi32, #tpu.memory_space<vmem>>
    %dma_wait3A_530 = tpu.memref_squeeze %dma_wait3A_529 : memref<1x32xi32, #tpu.memory_space<vmem>> -> memref<32xi32, #tpu.memory_space<vmem>>
    %dma_wait3A_531 = arith.constant 0 : i32
    %dma_wait3A_532 = arith.constant 0 : i32
    %dma_wait3A_533 = tpu.memref_slice %arg2[%dma_wait3A_531, %dma_wait3A_532] : memref<100000x768xf32, #tpu.memory_space<hbm>> -> memref<100000x768xf32, #tpu.memory_space<hbm>>
    tpu.wait_indirect_dma semaphore(%arg14 : memref<!tpu.dma_semaphore, #tpu.memory_space<semaphore_mem>>) src(%dma_wait3A_533 : memref<100000x768xf32, #tpu.memory_space<hbm>>) dst(%dma_wait3A_527 : memref<32x768xf32, #tpu.memory_space<vmem>>)
    %add3A_534 = arith.constant 224 : i32
    %add3A_535 = arith.addi %mul3A_2, %add3A_534 : i32
    %dma_start3A_536 = arith.constant 3 : i32
    %dma_start3A_537 = arith.constant 0 : i32
    %dma_start3A_538 = arith.constant 0 : i32
    %dma_start3A_539 = tpu.memref_slice %arg6[%dma_start3A_536, %dma_start3A_537, %dma_start3A_538] : memref<4x32x768xf32, #tpu.memory_space<vmem>> -> memref<1x32x768xf32, #tpu.memory_space<vmem>>
    %dma_start3A_540 = tpu.memref_squeeze %dma_start3A_539 : memref<1x32x768xf32, #tpu.memory_space<vmem>> -> memref<32x768xf32, #tpu.memory_space<vmem>>
    %dma_start3A_541 = arith.constant 0 : i32
    %dma_start3A_542 = tpu.memref_slice %arg4[%add3A_535, %dma_start3A_541] : memref<8192x768xf32, #tpu.memory_space<hbm>> -> memref<32x768xf32, #tpu.memory_space<hbm>>
    %dma_start3A_543 = arith.constant 0 : i32
    %dma_start3A_544 = tpu.memref_slice %arg4[%add3A_535, %dma_start3A_543] : memref<8192x768xf32, #tpu.memory_space<hbm>> -> memref<32x768xf32, #tpu.memory_space<hbm>>
    %dma_start3A_545 = arith.constant 0 : i32
    %dma_start3A_546 = arith.constant 0 : i32
    %dma_start3A_547 = tpu.memref_slice %arg6[%dma_start3A_536, %dma_start3A_545, %dma_start3A_546] : memref<4x32x768xf32, #tpu.memory_space<vmem>> -> memref<1x32x768xf32, #tpu.memory_space<vmem>>
    %dma_start3A_548 = tpu.memref_squeeze %dma_start3A_547 : memref<1x32x768xf32, #tpu.memory_space<vmem>> -> memref<32x768xf32, #tpu.memory_space<vmem>>
    tpu.enqueue_dma source(%dma_start3A_548 : memref<32x768xf32, #tpu.memory_space<vmem>>) target(%dma_start3A_544 : memref<32x768xf32, #tpu.memory_space<hbm>>) target_semaphore(%arg18 : memref<!tpu.dma_semaphore, #tpu.memory_space<semaphore_mem>>)
    %add3A_549 = arith.constant 128 : i32
    %add3A_550 = arith.addi %mul3A_2, %add3A_549 : i32
    %dma_wait3A_551 = arith.constant 0 : i32
    %dma_wait3A_552 = arith.constant 0 : i32
    %dma_wait3A_553 = arith.constant 0 : i32
    %dma_wait3A_554 = tpu.memref_slice %arg6[%dma_wait3A_551, %dma_wait3A_552, %dma_wait3A_553] : memref<4x32x768xf32, #tpu.memory_space<vmem>> -> memref<1x32x768xf32, #tpu.memory_space<vmem>>
    %dma_wait3A_555 = tpu.memref_squeeze %dma_wait3A_554 : memref<1x32x768xf32, #tpu.memory_space<vmem>> -> memref<32x768xf32, #tpu.memory_space<vmem>>
    %dma_wait3A_556 = arith.constant 0 : i32
    %dma_wait3A_557 = tpu.memref_slice %arg4[%add3A_550, %dma_wait3A_556] : memref<8192x768xf32, #tpu.memory_space<hbm>> -> memref<32x768xf32, #tpu.memory_space<hbm>>
    %dma_wait3A_558 = arith.constant 0 : i32
    %dma_wait3A_559 = tpu.memref_slice %arg4[%add3A_550, %dma_wait3A_558] : memref<8192x768xf32, #tpu.memory_space<hbm>> -> memref<32x768xf32, #tpu.memory_space<hbm>>
    %dma_wait3A_560 = arith.constant 0 : i32
    %dma_wait3A_561 = arith.constant 0 : i32
    %dma_wait3A_562 = tpu.memref_slice %arg6[%dma_wait3A_551, %dma_wait3A_560, %dma_wait3A_561] : memref<4x32x768xf32, #tpu.memory_space<vmem>> -> memref<1x32x768xf32, #tpu.memory_space<vmem>>
    %dma_wait3A_563 = tpu.memref_squeeze %dma_wait3A_562 : memref<1x32x768xf32, #tpu.memory_space<vmem>> -> memref<32x768xf32, #tpu.memory_space<vmem>>
    tpu.wait_dma2 semaphore(%arg15 : memref<!tpu.dma_semaphore, #tpu.memory_space<semaphore_mem>>) src(%dma_wait3A_563 : memref<32x768xf32, #tpu.memory_space<vmem>>) dst(%dma_wait3A_559 : memref<32x768xf32, #tpu.memory_space<hbm>>)
    %add3A_564 = arith.constant 160 : i32
    %add3A_565 = arith.addi %mul3A_2, %add3A_564 : i32
    %dma_wait3A_566 = arith.constant 1 : i32
    %dma_wait3A_567 = arith.constant 0 : i32
    %dma_wait3A_568 = arith.constant 0 : i32
    %dma_wait3A_569 = tpu.memref_slice %arg6[%dma_wait3A_566, %dma_wait3A_567, %dma_wait3A_568] : memref<4x32x768xf32, #tpu.memory_space<vmem>> -> memref<1x32x768xf32, #tpu.memory_space<vmem>>
    %dma_wait3A_570 = tpu.memref_squeeze %dma_wait3A_569 : memref<1x32x768xf32, #tpu.memory_space<vmem>> -> memref<32x768xf32, #tpu.memory_space<vmem>>
    %dma_wait3A_571 = arith.constant 0 : i32
    %dma_wait3A_572 = tpu.memref_slice %arg4[%add3A_565, %dma_wait3A_571] : memref<8192x768xf32, #tpu.memory_space<hbm>> -> memref<32x768xf32, #tpu.memory_space<hbm>>
    %dma_wait3A_573 = arith.constant 0 : i32
    %dma_wait3A_574 = tpu.memref_slice %arg4[%add3A_565, %dma_wait3A_573] : memref<8192x768xf32, #tpu.memory_space<hbm>> -> memref<32x768xf32, #tpu.memory_space<hbm>>
    %dma_wait3A_575 = arith.constant 0 : i32
    %dma_wait3A_576 = arith.constant 0 : i32
    %dma_wait3A_577 = tpu.memref_slice %arg6[%dma_wait3A_566, %dma_wait3A_575, %dma_wait3A_576] : memref<4x32x768xf32, #tpu.memory_space<vmem>> -> memref<1x32x768xf32, #tpu.memory_space<vmem>>
    %dma_wait3A_578 = tpu.memref_squeeze %dma_wait3A_577 : memref<1x32x768xf32, #tpu.memory_space<vmem>> -> memref<32x768xf32, #tpu.memory_space<vmem>>
    tpu.wait_dma2 semaphore(%arg16 : memref<!tpu.dma_semaphore, #tpu.memory_space<semaphore_mem>>) src(%dma_wait3A_578 : memref<32x768xf32, #tpu.memory_space<vmem>>) dst(%dma_wait3A_574 : memref<32x768xf32, #tpu.memory_space<hbm>>)
    %add3A_579 = arith.constant 192 : i32
    %add3A_580 = arith.addi %mul3A_2, %add3A_579 : i32
    %dma_wait3A_581 = arith.constant 2 : i32
    %dma_wait3A_582 = arith.constant 0 : i32
    %dma_wait3A_583 = arith.constant 0 : i32
    %dma_wait3A_584 = tpu.memref_slice %arg6[%dma_wait3A_581, %dma_wait3A_582, %dma_wait3A_583] : memref<4x32x768xf32, #tpu.memory_space<vmem>> -> memref<1x32x768xf32, #tpu.memory_space<vmem>>
    %dma_wait3A_585 = tpu.memref_squeeze %dma_wait3A_584 : memref<1x32x768xf32, #tpu.memory_space<vmem>> -> memref<32x768xf32, #tpu.memory_space<vmem>>
    %dma_wait3A_586 = arith.constant 0 : i32
    %dma_wait3A_587 = tpu.memref_slice %arg4[%add3A_580, %dma_wait3A_586] : memref<8192x768xf32, #tpu.memory_space<hbm>> -> memref<32x768xf32, #tpu.memory_space<hbm>>
    %dma_wait3A_588 = arith.constant 0 : i32
    %dma_wait3A_589 = tpu.memref_slice %arg4[%add3A_580, %dma_wait3A_588] : memref<8192x768xf32, #tpu.memory_space<hbm>> -> memref<32x768xf32, #tpu.memory_space<hbm>>
    %dma_wait3A_590 = arith.constant 0 : i32
    %dma_wait3A_591 = arith.constant 0 : i32
    %dma_wait3A_592 = tpu.memref_slice %arg6[%dma_wait3A_581, %dma_wait3A_590, %dma_wait3A_591] : memref<4x32x768xf32, #tpu.memory_space<vmem>> -> memref<1x32x768xf32, #tpu.memory_space<vmem>>
    %dma_wait3A_593 = tpu.memref_squeeze %dma_wait3A_592 : memref<1x32x768xf32, #tpu.memory_space<vmem>> -> memref<32x768xf32, #tpu.memory_space<vmem>>
    tpu.wait_dma2 semaphore(%arg17 : memref<!tpu.dma_semaphore, #tpu.memory_space<semaphore_mem>>) src(%dma_wait3A_593 : memref<32x768xf32, #tpu.memory_space<vmem>>) dst(%dma_wait3A_589 : memref<32x768xf32, #tpu.memory_space<hbm>>)
    %add3A_594 = arith.constant 224 : i32
    %add3A_595 = arith.addi %mul3A_2, %add3A_594 : i32
    %dma_wait3A_596 = arith.constant 3 : i32
    %dma_wait3A_597 = arith.constant 0 : i32
    %dma_wait3A_598 = arith.constant 0 : i32
    %dma_wait3A_599 = tpu.memref_slice %arg6[%dma_wait3A_596, %dma_wait3A_597, %dma_wait3A_598] : memref<4x32x768xf32, #tpu.memory_space<vmem>> -> memref<1x32x768xf32, #tpu.memory_space<vmem>>
    %dma_wait3A_600 = tpu.memref_squeeze %dma_wait3A_599 : memref<1x32x768xf32, #tpu.memory_space<vmem>> -> memref<32x768xf32, #tpu.memory_space<vmem>>
    %dma_wait3A_601 = arith.constant 0 : i32
    %dma_wait3A_602 = tpu.memref_slice %arg4[%add3A_595, %dma_wait3A_601] : memref<8192x768xf32, #tpu.memory_space<hbm>> -> memref<32x768xf32, #tpu.memory_space<hbm>>
    %dma_wait3A_603 = arith.constant 0 : i32
    %dma_wait3A_604 = tpu.memref_slice %arg4[%add3A_595, %dma_wait3A_603] : memref<8192x768xf32, #tpu.memory_space<hbm>> -> memref<32x768xf32, #tpu.memory_space<hbm>>
    %dma_wait3A_605 = arith.constant 0 : i32
    %dma_wait3A_606 = arith.constant 0 : i32
    %dma_wait3A_607 = tpu.memref_slice %arg6[%dma_wait3A_596, %dma_wait3A_605, %dma_wait3A_606] : memref<4x32x768xf32, #tpu.memory_space<vmem>> -> memref<1x32x768xf32, #tpu.memory_space<vmem>>
    %dma_wait3A_608 = tpu.memref_squeeze %dma_wait3A_607 : memref<1x32x768xf32, #tpu.memory_space<vmem>> -> memref<32x768xf32, #tpu.memory_space<vmem>>
    tpu.wait_dma2 semaphore(%arg18 : memref<!tpu.dma_semaphore, #tpu.memory_space<semaphore_mem>>) src(%dma_wait3A_608 : memref<32x768xf32, #tpu.memory_space<vmem>>) dst(%dma_wait3A_604 : memref<32x768xf32, #tpu.memory_space<hbm>>)
    return
  }
}

module attributes {stable_mosaic.version = 14 : i64} {
  func.func @body(%arg0: i32, %arg1: i32, %arg2: memref<2048x768xf32, #tpu.memory_space<vmem>>, %arg3: memref<2048x768xf32, #tpu.memory_space<vmem>>, %arg4: memref<2048x768xf32, #tpu.memory_space<vmem>>) attributes {dimension_semantics = [#tpu.dimension_semantics<arbitrary>, #tpu.dimension_semantics<arbitrary>], iteration_bounds = array<i64: 1, 4>, scalar_prefetch = 0 : i64, scratch_operands = 0 : i64, tpu.core_type = #tpu.core_type<tc>, window_params = [{transform_indices = @transform_0, window_bounds = array<i64: 2048, 768>}, {transform_indices = @transform_1, window_bounds = array<i64: 2048, 768>}, {transform_indices = @transform_2, window_bounds = array<i64: 2048, 768>}]} {
    %get3A = arith.constant 0 : index
    %get3A_0 = arith.constant 0 : index
    %get3A_1 = vector.load %arg2[%get3A, %get3A_0] : memref<2048x768xf32, #tpu.memory_space<vmem>>, vector<2048x768xf32>
    %mul3A = arith.constant 27.7128124 : f32
    %mul3A_2 = vector.broadcast %mul3A : f32 to vector<2048x768xf32>
    %mul3A_3 = arith.mulf %get3A_1, %mul3A_2 : vector<2048x768xf32>
    %get3A_4 = arith.constant 0 : index
    %get3A_5 = arith.constant 0 : index
    %get3A_6 = vector.load %arg3[%get3A_4, %get3A_5] : memref<2048x768xf32, #tpu.memory_space<vmem>>, vector<2048x768xf32>
    %add3A = arith.addf %mul3A_3, %get3A_6 : vector<2048x768xf32>
    %swap3A = arith.constant 0 : index
    %swap3A_7 = arith.constant 0 : index
    %swap3A_8 = vector.load %arg4[%swap3A, %swap3A_7] : memref<2048x768xf32, #tpu.memory_space<vmem>>, vector<2048x768xf32>
    tpu.vector_store %arg4[%swap3A, %swap3A_7], %add3A {strides = array<i32>} : memref<2048x768xf32, #tpu.memory_space<vmem>>, vector<2048x768xf32>,
    return
  }
  func.func @transform_0(%arg0: i32, %arg1: i32) -> (i32, i32) {
    %mul3A = arith.constant 1 : i32
    %mul3A_0 = arith.muli %arg1, %mul3A : i32
    %add3A = arith.addi %mul3A_0, %arg0 : i32
    %c0_i32 = arith.constant 0 : i32
    %c0_i32_1 = arith.constant 0 : i32
    return %add3A, %c0_i32 : i32, i32
  }
  func.func @transform_1(%arg0: i32, %arg1: i32) -> (i32, i32) {
    %c0_i32 = arith.constant 0 : i32
    %c0_i32_0 = arith.constant 0 : i32
    return %arg0, %c0_i32 : i32, i32
  }
  func.func @transform_2(%arg0: i32, %arg1: i32) -> (i32, i32) {
    %mul3A = arith.constant 1 : i32
    %mul3A_0 = arith.muli %arg1, %mul3A : i32
    %add3A = arith.constant 0 : i32
    %add3A_1 = arith.addi %add3A, %mul3A_0 : i32
    %add3A_2 = arith.addi %add3A_1, %arg0 : i32
    %c0_i32 = arith.constant 0 : i32
    %c0_i32_3 = arith.constant 0 : i32
    return %add3A_2, %c0_i32 : i32, i32
  }
}

</mosaic_0001>

<sc_bundles>
// kernel: run.4.cloned.1.call-start
scs
__scs_entry_jumppad:
0x0: {  	(pc) =	sbr.rel $0x88, $3  }
0x1: {  	(tag) =	ssettag $0x0;
	lr =	simm.s32 $0x1  }
0x2: {  	[smem:$0x3F9E] =	sst lr;
	_ =	strace $0xD0000000  }
0x3: {  	_ = 	snop  }
0x4: {  	_ = 	snop  }
0x5: {  	_ = 	snop  }
0x6: {  	_ = 	snop  }
0x7: {  	_ = 	snop  }
__scs_overlays_trampoline_lowered:
0x8: {  	[smem:$0x3FAD] =	sst s0  }
0x9: {  	[smem:$0x3FAE] =	sst s1  }
0xa: {  	[smem:$0x3FAF] =	sst s2  }
0xb: {  	[smem:$0x3FB0] =	sst s3  }
0xc: {  	[smem:$0x3FB1] =	sst s4  }
0xd: {  	[smem:$0x3FB2] =	sst s5  }
0xe: {  	[smem:$0x3FB3] =	sst s6  }
0xf: {  	[smem:$0x3FB4] =	sst s7  }
0x10: {  	[smem:$0x3FB5] =	sst s8  }
0x11: {  	[smem:$0x3FB6] =	sst s9;
	s0 =	simm.s32 @!p0 $0x0  }
0x12: {  	s1 =	sld [smem:$0x3F9C];
	s0 =	simm.s32 @p0 $0x1  }
0x13: {  	[smem:$0x3FB7] =	sst s0;
	s0 =	simm.s32 @!p1 $0x0  }
0x14: {  	s2 =	sld [smem:$0x3F9B];
	s0 =	simm.s32 @p1 $0x1  }
0x15: {  	[smem:$0x3FB8] =	sst s0;
	s0 =	simm.s32 @!p2 $0x0  }
0x16: {  	s3 =	sld [smem:$0x3FDB];
	s0 =	simm.s32 @p2 $0x1  }
0x17: {  	s4 =	simm.s32 $0x1BF5;
	[smem:$0x3FBA] =	sst s0  }
0x18: {  	s0 =	sld [smem:$0x3F9D];
	_ =	swait.ge [sflag:s4], $0x0  }
0x19: {  	s7 =	sld [smem:$0x3F9E]  }
0x1a: {  	s8 =	sadd.s32 $0xFFFFE003, lr  }
0x1b: {  	s9 =	sadd.s32 $0xFFFFFEF7, lr;
	s5 =	simm.s32 $0xFFFFFFFF;
	p2 =	slt.u32 s8, $0xFFFFF086  }
0x1c: {  	p1 =	slt.u32 s9, $0xF7A;
	s5 =	simm.s32 @!p2 $0x0  }
0x1d: {  	s5 =	simm.s32 @p1 $0x1;
	p0 =	seq.s32 s7, s2  }
0x1e: {  	s7 =	smul.u32 @!p0 $0xF7A, s2;
	p2 =	seq.s32 @!p0 s5, $0x0  }
0x1f: {  	s9 =	smul.u32 $0xF7A, s1;
	s8 =	simm.s32 @!p0 $0x1BF5;
	p2 =	por !p2, p0  }
0x20: {  	[sflag:s8] =	ssyncset.s32 @!p0 $0xFFFFF086;
	s6 =	sadd.s32 @!p0 s3, s7;
	s7 =	simm.s32 @!p0 $0x108  }
0x21: {  	s3 =	sadd.s32 s3, s9;
	s6 =	sadd.s32 @!p0 $0x88, s6;
	s7 =	simm.s32 @p2 $0x1082  }
0x22: {  	[simem:s7], [sflag:s8] =	dma.local @!p0 [hbm:s6], $0xF7A  }
0x23: {  	s9 =	sor.u32 $0xD0000000, s2;
	s6 =	simm.s32 $0x108;
	_ =	swait.ge @!p0 [sflag:s8], $0x0  }
0x24: {  	s3 =	sadd.s32 $0x88, s3;
	s6 =	simm.s32 @!p1 $0x1082;
	[sflag:s4] =	ssyncset.s32 $0xFFFFF086  }
0x25: {  	[simem:s6], [sflag:s4] =	dma.local [hbm:s3], $0xF7A  }
0x26: {  	[smem:$0x3F9E] =	sst s1;
	(tag) =	ssettag s2;
	_ =	strace s9  }
0x27: {  	s1 =	sld [smem:$0x3FAE]  }
0x28: {  	s2 =	sld [smem:$0x3FAF]  }
0x29: {  	s4 =	sld [smem:$0x3FB1]  }
0x2a: {  	p0 =	seq.s32 s5, $0x0;
	s5 =	sld [smem:$0x3FB2]  }
0x2b: {  	s6 =	sld [smem:$0x3FB3]  }
0x2c: {  	s7 =	sld [smem:$0x3FB4]  }
0x2d: {  	s3 =	simm.s32 $0x108;
	s8 =	sld [smem:$0x3FB5]  }
0x2e: {  	s3 =	simm.s32 @!p0 $0x1082;
	s9 =	sld [smem:$0x3FB6]  }
0x2f: {  	lr =	sadd.s32 s0, s3;
	s0 =	sld [smem:$0x3FAD]  }
0x30: {  	s3 =	sld [smem:$0x3FB0]  }
0x31: {  	[smem:$0x3FB9] =	sst s10  }
0x32: {  	s10 =	sld [smem:$0x3FB7];
	_ =	sdelay $0x3  }
0x33: {  	p0 =	seq.s32 s10, $0x1;
	s10 =	sld [smem:$0x3FB9];
	_ =	sdelay $0x3  }
0x34: {  	[smem:$0x3FB9] =	sst s10  }
0x35: {  	s10 =	sld [smem:$0x3FB8];
	_ =	sdelay $0x3  }
0x36: {  	p1 =	seq.s32 s10, $0x1;
	s10 =	sld [smem:$0x3FB9];
	_ =	sdelay $0x3  }
0x37: {  	[smem:$0x3FB9] =	sst s10  }
0x38: {  	s10 =	sld [smem:$0x3FBA]  }
0x39: {  	_ = 	snop;
	(pc) =	sbr.ind lr, $3  }
0x3a: {  	_ = 	snop  }
0x3b: {  	_ = 	snop  }
0x3c: {  	p2 =	seq.s32 s10, $0x1;
	s10 =	sld [smem:$0x3FB9]  }
0x3d: {  	_ =	shalt  }
0x3e: {  	_ =	shalt  }
0x3f: {  	_ =	shalt  }
0x40: {  	_ =	shalt  }
0x41: {  	_ =	shalt  }
0x42: {  	_ =	shalt  }
0x43: {  	_ =	shalt  }
0x44: {  	_ =	shalt  }
0x45: {  	_ =	shalt  }
0x46: {  	_ =	shalt  }
0x47: {  	_ =	shalt  }
0x48: {  	_ =	shalt  }
0x49: {  	_ =	shalt  }
0x4a: {  	_ =	shalt  }
0x4b: {  	_ =	shalt  }
0x4c: {  	_ =	shalt  }
0x4d: {  	_ =	shalt  }
0x4e: {  	_ =	shalt  }
0x4f: {  	_ =	shalt  }
0x50: {  	_ =	shalt  }
0x51: {  	_ =	shalt  }
0x52: {  	_ =	shalt  }
0x53: {  	_ =	shalt  }
0x54: {  	_ =	shalt  }
0x55: {  	_ =	shalt  }
0x56: {  	_ =	shalt  }
0x57: {  	_ =	shalt  }
0x58: {  	_ =	shalt  }
0x59: {  	_ =	shalt  }
0x5a: {  	_ =	shalt  }
0x5b: {  	_ =	shalt  }
0x5c: {  	_ =	shalt  }
0x5d: {  	_ =	shalt  }
0x5e: {  	_ =	shalt  }
0x5f: {  	_ =	shalt  }
0x60: {  	_ =	shalt  }
0x61: {  	_ =	shalt  }
0x62: {  	_ =	shalt  }
0x63: {  	_ =	shalt  }
0x64: {  	_ =	shalt  }
0x65: {  	_ =	shalt  }
0x66: {  	_ =	shalt  }
0x67: {  	_ =	shalt  }
0x68: {  	_ =	shalt  }
0x69: {  	_ =	shalt  }
0x6a: {  	_ =	shalt  }
0x6b: {  	_ =	shalt  }
0x6c: {  	_ =	shalt  }
0x6d: {  	_ =	shalt  }
0x6e: {  	_ =	shalt  }
0x6f: {  	_ =	shalt  }
0x70: {  	_ =	shalt  }
0x71: {  	_ =	shalt  }
0x72: {  	_ =	shalt  }
0x73: {  	_ =	shalt  }
0x74: {  	_ =	shalt  }
0x75: {  	_ =	shalt  }
0x76: {  	_ =	shalt  }
0x77: {  	_ =	shalt  }
0x78: {  	_ =	shalt  }
0x79: {  	_ =	shalt  }
0x7a: {  	_ =	shalt  }
0x7b: {  	_ =	shalt  }
0x7c: {  	_ =	shalt  }
0x7d: {  	_ =	shalt  }
0x7e: {  	_ =	shalt  }
0x7f: {  	_ =	shalt  }
0x80: {  	_ =	shalt  }
0x81: {  	_ =	shalt  }
0x82: {  	_ =	shalt  }
0x83: {  	_ =	shalt  }
0x84: {  	_ =	shalt  }
0x85: {  	_ =	shalt  }
0x86: {  	_ =	shalt  }
0x87: {  	_ =	shalt  }
.Lfunc_end0:
.L_simem_size_0:
called_computation_lowered:
.L_overlay_start_0:
0x88: {  	s2 =	sld [smem:$0x3FD9]  }
0x89: {  	s3 =	sld [smem:$0x3FFE];
	_ =	sdelay $0x1  }
0x8a: {  	s1 =	srdreg.scid  }
0x8b: {  	s0 =	sand.u32 $0x1, s1  }
0x8c: {  	s17 =	sshll.u32 s0, $0xA;
	s2 =	sadd.s32 s3, s2  }
0x8d: {  	s2 =	sadd.s32 s2, s17  }
0x8e: {  	[smem:$0x3FC5] =	sst s2  }
0x8f: {  	_ = 	snop  }
0x90: {  	s2 =	sld [smem:$0x3FC9]  }
0x91: {  	s18 =	sld [smem:$0x3FC8];
	(tm) =	ssettm $0x1  }
0x92: {  	s4 =	sld [smem:$0x3FFB];
	_ =	sdelay $0x3  }
0x93: {  	_ =	strace s4  }
0x94: {  	s4 =	sld [smem:$0x3FFC];
	_ =	sdelay $0x3  }
0x95: {  	_ =	strace s4  }
0x96: {  	s4 =	sld [smem:$0x3FFD];
	_ =	sdelay $0x3  }
0x97: {  	_ =	strace s4  }
0x98: {  	_ =	strace $0x8FFFFFFF  }
0x99: {  	s19 =	sld [smem:$0x3FDB];
	_ =	sdelay $0x1  }
0x9a: {  	s5 =	simm.s32 $_scs_section_size  }
0x9b: {  	s6 =	simm.s32 $_size__tile_overlayer_lowered;
	s7 =	simm.s32 $_tile_overlayer_lowered  }
0x9c: {  	s22 =	simm.s32 $0x1BFF;
	s21 =	sshll.u32 s7, $0x1;
	s4 =	sadd.s32 s5, s19  }
0x9d: {  	s8 =	simm.s32 $0x0;
	s20 =	sshll.u32 s6, $0x1;
	s6 =	sadd.s32 s21, s4  }
0x9e: {  	[timem:s8], [sflag:s22] =	dma.local [hbm:s6], s20  }
0x9f: {  	_ =	swait.ge [sflag:s22], s20  }
0xa0: {  	s5 =	ssub.s32 $0x0, s20;
	[sflag:s22] =	ssyncset.done $0x0  }
0xa1: {  	[sflag:s22] =	ssyncadd.s32 s5;
	_ =	sdelay $0x1  }
0xa2: {  	s23 =	simm.s32 $0x1B8B  }
0xa3: {  	_ =	swait.ge [sflag:s23], $0x1  }
0xa4: {  	[sflag:s23] =	ssyncset.done $0x0  }
0xa5: {  	s25 =	simm.s32 $0x1B8E;
	s24 =	sld [smem:$0x3FFE];
	[sflag:s23] =	ssyncadd.s32 $0xFFFFFFFF  }
0xa6: {  	s26 =	simm.s32 $execute0_lowered;
	[smem:$0x3FD2] =	sst s25  }
0xa7: {  	s6 =	sshll.u32 s26, $0x1;
	_ =	strace $0x80000046;
	[dreg:$0x1] =	wrdreg $0xFFFFFFFF  }
0xa8: {  	s28 =	simm.s32 $_size_execute0_lowered;
	s4 =	sadd.s32 s4, s6;
	[dreg:$0x0] =	wrdreg $0x0  }
0xa9: {  	s6 =	sshll.u32 s28, $0x1;
	[dreg:$0x2] =	wrdreg s4  }
0xaa: {  	[dreg:$0x3] =	wrdreg s6  }
0xab: {  	[dreg:$0x4] =	wrdreg $0xC0  }
0xac: {  	_ =	task [dreg:s8], $0x5FFFF  }
0xad: {  	[dreg:$0x1] =	wrdreg $0xFFFFFFFF  }
0xae: {  	[dreg:$0x0] =	wrdreg $0x60  }
0xaf: {  	[dreg:$0x2] =	wrdreg s2  }
0xb0: {  	[dreg:$0x3] =	wrdreg s18  }
0xb1: {  	[dreg:$0x4] =	wrdreg s24  }
0xb2: {  	[dreg:$0x5] =	wrdreg $0x9  }
0xb3: {  	_ =	task.clear_ibuf [dreg:s8], $0x6FFFF;
	_ =	strace $0x90000046  }
0xb4: {  	s29 =	simm.s32 $0x9;
	_ =	strace $0x80000048  }
0xb5: {  	_ =	swait.ge [sflag:s29], $0x1  }
0xb6: {  	[sflag:s29] =	ssyncadd.s32 $0xFFFFFFFF  }
0xb7: {  	_ =	strace $0x90000048  }
0xb8: {  	_ =	sfence  }
0xb9: {  	s30 =	sld [smem:$0x0];
	_ =	sdelay $0x2  }
0xba: {  	s31 =	sshll.u32 s1, $0xD;
	s1 =	sshrl.u32 s1, $0x2  }
0xbb: {  	s3 =	sand.u32 $0x4000, s31;
	s1 =	sadd.s32 s1, s30  }
0xbc: {  	s0 =	sor.u32 s3, s0;
	s1 =	sshll.u32 s1, $0x11  }
0xbd: {  	s0 =	sor.u32 s1, s0  }
0xbe: {  	s0 =	sadd.s32 $0x8F2B, s0  }
0xbf: {  	[sflag:s0] =	ssyncadd.remote.s32 $0x1  }
0xc0: {  	_ =	sfence.sel $0xFFFF  }
0xc1: {  	[dreg:$0x0] =	wrdreg $0xFFFFFFFF;
	(pc) =	sbr.abs _section_cstart, $3  }
0xc2: {  	[dreg:$0x1] =	wrdreg $0xFFFFFFFF  }
0xc3: {  	_ =	task.clear_ibuf [dreg:s8], $0x2FFFF;
	_ =	strace $0x9FFFFFFF  }
0xc4: {  	(tm) =	ssettm $0x7FFFFFFF  }
0xc5: {  	_ =	shalt  }
tec
execute0_lowered:
.L_overlay_start_1:
0x0: {  	(tag) =	ssettag $0x1  }
0x1: {  	s1 =	rddreg [dreg:$0x0]  }
0x2: {  	s0 =	rddreg [dreg:$0x1]  }
0x3: {  	s2 =	rddreg [dreg:$0x2]  }
0x4: {  	s3 =	srdreg.scid;
	s5 =	stileid.u32;
	s30 =	simm.s32 $0x4200  }
0x5: {  	s28 =	simm.s32 $0x6200;
	s29 =	simm.s32 $0x6A00;
	s31 =	simm.s32 $0xA200  }
0x6: {  	s4 =	sand.u32 $0x1, s3;
	s3 =	simm.s32 $0x0;
	s5 =	sshll.u32 s5, $0x6  }
0x7: {  	s2 =	sadd.s32 $0x600, s2;
	s6 =	sshll.u32 s4, $0x5;
	[smem:$0x7FF] =	sst s3  }
0x8: {  	s4 =	ssub.s32 $0x2, s4;
	s5 =	sor.u32 s6, s5;
	_ =	strace $0x80000047  }
0x9: {  	s6 =	sadd.s32 s0, s5;
	s7 =	sor.u32 $0x4, s5;
	s8 =	sor.u32 $0x8, s5  }
0xa: {  	s9 =	sor.u32 $0xC, s5;
	s10 =	sor.u32 $0x10, s5;
	s11 =	smul.u32 $0x300, s5  }
0xb: {  	s26 =	sor.u32 $0x14, s5;
	s14 =	sor.u32 $0x18, s5;
	s5 =	sor.u32 $0x1C, s5  }
0xc: {  	[dreg:$0x4] =	wrdreg s6;
	s21 =	sadd.s32 s0, s7;
	s22 =	sadd.s32 s0, s8  }
0xd: {  	s23 =	sadd.s32 s0, s9;
	s7 =	smul.u32 $0x300, s7;
	[dreg:$0x5] =	wrdreg s21  }
0xe: {  	s24 =	sadd.s32 s0, s10;
	s8 =	smul.u32 $0x300, s8;
	[dreg:$0x6] =	wrdreg s22  }
0xf: {  	s12 =	sadd.s32 s0, s26;
	s17 =	smul.u32 $0x300, s9;
	[dreg:$0x7] =	wrdreg s23  }
0x10: {  	s15 =	sadd.s32 s0, s14;
	s18 =	smul.u32 $0x300, s10;
	[dreg:$0x8] =	wrdreg s24  }
0x11: {  	s0 =	sadd.s32 s0, s5;
	s20 =	smul.u32 $0x300, s26;
	[dreg:$0xa] =	wrdreg s12  }
0x12: {  	s5 =	smul.u32 $0x300, s5;
	s10 =	simm.s32 $0xC200;
	[dreg:$0xc] =	wrdreg s15  }
0x13: {  	s9 =	simm.s32 $0x12200;
	s25 =	sadd.s32 s2, s11;
	[dreg:$0xe] =	wrdreg s0  }
0x14: {  	s12 =	sshrl.u32 s4, $0x1;
	s22 =	smul.u32 $0x300, s14;
	[dreg:$0x9] =	wrdreg s25  }
0x15: {  	s13 =	sadd.s32 s2, s7;
	s16 =	sadd.s32 s2, s8;
	s19 =	sadd.s32 s2, s17  }
0x16: {  	s21 =	sadd.s32 s2, s18;
	s23 =	sadd.s32 s2, s20;
	[dreg:$0xb] =	wrdreg s13  }
0x17: {  	s24 =	ssub.s32 s4, s12;
	s4 =	sadd.s32 $0x100, s1;
	[dreg:$0xd] =	wrdreg s16  }
0x18: {  	s26 =	sadd.s32 s2, s5;
	s5 =	sadd.s32 $0x200, s1;
	[dreg:$0xf] =	wrdreg s19  }
0x19: {  	s17 =	simm.s32 $0x2200;
	s18 =	simm.s32 $0x2A00;
	[dreg:$0x10] =	wrdreg s21  }
0x1a: {  	s20 =	simm.s32 $0x5A00;
	s7 =	simm.s32 $0x5;
	[dreg:$0x11] =	wrdreg s23  }
0x1b: {  	s8 =	simm.s32 $0x6;
	s25 =	sadd.s32 s2, s22;
	[dreg:$0x13] =	wrdreg s26  }
0x1c: {  	v2 =	vlaneseq.u32;
	s22 =	smax.u32 s24, $0x1;
	s23 =	simm.s32 $0x1;
	s24 =	simm.s32 $0x200  }
0x1d: {  	vm0 =	vmmov $0xffff;
	v1 =	vshrl.u32 v2, $0x3;
	s16 =	simm.s32 $0x1A00;
	s26 =	simm.s32 $0x3200;
	s21 =	simm.s32 $0x5200  }
0x1e: {  	v0 =	vand.u32 $0x7, v2;
	v2 =	vor.u32 $0x8, v2;
	v1 =	vmul.u32 $0x8, v1;
	s19 =	simm.s32 $0x4;
	[dreg:$0x12] =	wrdreg s25;
	s25 =	simm.s32 $0x4A00  }
.LBB2_1:
0x1f: {  	s0 =	rddreg [dreg:$0x4]  }
0x20: {  	[tilespmem:s3], [sflag:$0x1] =	stream.linear.gather [hbm4b:s0+s3], $0x20, $0x38;
	[tilespmem:$0x18200] =	vst v63  }
0x21: {  	s2 =	rddreg [dreg:$0x5];
	s11 =	simm.s32 $0x80  }
0x22: {  	[tilespmem:s11], [sflag:$0x2] =	stream.linear.gather [hbm4b:s2+s3], $0x20, $0x38;
	[tilespmem:$0x18200] =	vst v63  }
0x23: {  	s13 =	rddreg [dreg:$0x6];
	s6 =	simm.s32 $0x100  }
0x24: {  	[tilespmem:s6], [sflag:$0x3] =	stream.linear.gather [hbm4b:s13+s3], $0x20, $0x38;
	[tilespmem:$0x18200] =	vst v63  }
0x25: {  	s14 =	rddreg [dreg:$0x7];
	s15 =	simm.s32 $0x180  }
0x26: {  	[tilespmem:s15], [sflag:$0x4] =	stream.linear.gather [hbm4b:s14+s3], $0x20, $0x38;
	[tilespmem:$0x18200] =	vst v63  }
0x27: {  	_ =	swait.ge [sflag:s23], $0x20  }
0x28: {  	[sflag:s23] =	ssyncset.done $0x0  }
0x29: {  	[sflag:s23] =	ssyncadd.s32 $0xFFFFFFE0  }
0x2a: {  	v3 =	vld [tilespmem:$0x0];
	_ =	sdelay $0x4  }
0x2b: {  	v4 =	vshrl.u32 v3, $0x3  }
0x2c: {  	v4 =	vmul.u32 $0x30, v4  }
0x2d: {  	v3 =	vand.u32 $0x7, v3  }
0x2e: {  	v3 =	vor.u32 v3, v4  }
0x2f: {  	v4 =	vperm.xlane v3, v0;
	_ =	sdelay $0x1  }
0x30: {  	v4 =	vadd.s32 v1, v4;
	_ =	sdelay $0x3  }
0x31: {  	v3 =	vperm.xlane v3, v2  }
0x32: {  	[tilespmem:s24], [sflag:$0x5] =	stream.indirect_vreg.gather [hbm4b:s1+s3], $0x80, v4, vm0, $0xb8;
	[tilespmem:$0x18200] =	vst v63  }
0x33: {  	s14 =	simm.s32 $0xA00;
	v3 =	vadd.s32 v1, v3  }
0x34: {  	[tilespmem:s14], [sflag:$0x5] =	stream.indirect_vreg.gather [hbm4b:s4+s3], $0x80, v4, vm0, $0xb8;
	[tilespmem:$0x18200] =	vst v63  }
0x35: {  	s15 =	simm.s32 $0x1200  }
0x36: {  	[tilespmem:s15], [sflag:$0x5] =	stream.indirect_vreg.gather [hbm4b:s5+s3], $0x80, v4, vm0, $0xb8;
	[tilespmem:$0x18200] =	vst v63  }
0x37: {  	_ = 	snop  }
0x38: {  	[tilespmem:s16], [sflag:$0x5] =	stream.indirect_vreg.gather [hbm4b:s1+s3], $0x80, v3, vm0, $0xb8;
	[tilespmem:$0x18200] =	vst v63  }
0x39: {  	_ = 	snop  }
0x3a: {  	[tilespmem:s17], [sflag:$0x5] =	stream.indirect_vreg.gather [hbm4b:s4+s3], $0x80, v3, vm0, $0xb8;
	[tilespmem:$0x18200] =	vst v63  }
0x3b: {  	_ = 	snop  }
0x3c: {  	[tilespmem:s18], [sflag:$0x5] =	stream.indirect_vreg.gather [hbm4b:s5+s3], $0x80, v3, vm0, $0xb8;
	[tilespmem:$0x18200] =	vst v63  }
0x3d: {  	v3 =	vld [tilespmem:$0x10];
	_ =	sdelay $0x4  }
0x3e: {  	v49 =	vshrl.u32 v3, $0x3  }
0x3f: {  	v4 =	vmul.u32 $0x30, v49  }
0x40: {  	v3 =	vand.u32 $0x7, v3  }
0x41: {  	v3 =	vor.u32 v3, v4  }
0x42: {  	v4 =	vperm.xlane v3, v0;
	_ =	sdelay $0x1  }
0x43: {  	v4 =	vadd.s32 v1, v4;
	_ =	sdelay $0x3  }
0x44: {  	v3 =	vperm.xlane v3, v2  }
0x45: {  	[tilespmem:s26], [sflag:$0x5] =	stream.indirect_vreg.gather [hbm4b:s1+s3], $0x80, v4, vm0, $0xb8;
	[tilespmem:$0x18200] =	vst v63  }
0x46: {  	s13 =	simm.s32 $0x3A00;
	v3 =	vadd.s32 v1, v3  }
0x47: {  	[tilespmem:s13], [sflag:$0x5] =	stream.indirect_vreg.gather [hbm4b:s4+s3], $0x80, v4, vm0, $0xb8;
	[tilespmem:$0x18200] =	vst v63  }
0x48: {  	_ = 	snop  }
0x49: {  	[tilespmem:s30], [sflag:$0x5] =	stream.indirect_vreg.gather [hbm4b:s5+s3], $0x80, v4, vm0, $0xb8;
	[tilespmem:$0x18200] =	vst v63  }
0x4a: {  	_ = 	snop  }
0x4b: {  	[tilespmem:s25], [sflag:$0x5] =	stream.indirect_vreg.gather [hbm4b:s1+s3], $0x80, v3, vm0, $0xb8;
	[tilespmem:$0x18200] =	vst v63  }
0x4c: {  	_ = 	snop  }
0x4d: {  	[tilespmem:s21], [sflag:$0x5] =	stream.indirect_vreg.gather [hbm4b:s4+s3], $0x80, v3, vm0, $0xb8;
	[tilespmem:$0x18200] =	vst v63  }
0x4e: {  	s12 =	simm.s32 $0x2  }
0x4f: {  	[tilespmem:s20], [sflag:$0x5] =	stream.indirect_vreg.gather [hbm4b:s5+s3], $0x80, v3, vm0, $0xb8;
	[tilespmem:$0x18200] =	vst v63  }
0x50: {  	_ =	swait.ge [sflag:s12], $0x20  }
0x51: {  	[sflag:s12] =	ssyncset.done $0x0  }
0x52: {  	[sflag:s12] =	ssyncadd.s32 $0xFFFFFFE0  }
0x53: {  	v3 =	vld [tilespmem:$0x80];
	_ =	sdelay $0x4  }
0x54: {  	v50 =	vshrl.u32 v3, $0x3  }
0x55: {  	v4 =	vmul.u32 $0x30, v50  }
0x56: {  	v3 =	vand.u32 $0x7, v3  }
0x57: {  	v3 =	vor.u32 v3, v4  }
0x58: {  	v4 =	vperm.xlane v3, v0;
	_ =	sdelay $0x1  }
0x59: {  	v4 =	vadd.s32 v1, v4;
	_ =	sdelay $0x3  }
0x5a: {  	v3 =	vperm.xlane v3, v2  }
0x5b: {  	[tilespmem:s28], [sflag:$0x6] =	stream.indirect_vreg.gather [hbm4b:s1+s3], $0x80, v4, vm0, $0xb8;
	[tilespmem:$0x18200] =	vst v63  }
0x5c: {  	v3 =	vadd.s32 v1, v3  }
0x5d: {  	[tilespmem:s29], [sflag:$0x6] =	stream.indirect_vreg.gather [hbm4b:s4+s3], $0x80, v4, vm0, $0xb8;
	[tilespmem:$0x18200] =	vst v63  }
0x5e: {  	s6 =	simm.s32 $0x7200  }
0x5f: {  	[tilespmem:s6], [sflag:$0x6] =	stream.indirect_vreg.gather [hbm4b:s5+s3], $0x80, v4, vm0, $0xb8;
	[tilespmem:$0x18200] =	vst v63  }
0x60: {  	s2 =	simm.s32 $0x7A00  }
0x61: {  	[tilespmem:s2], [sflag:$0x6] =	stream.indirect_vreg.gather [hbm4b:s1+s3], $0x80, v3, vm0, $0xb8;
	[tilespmem:$0x18200] =	vst v63  }
0x62: {  	s6 =	simm.s32 $0x8200  }
0x63: {  	[tilespmem:s6], [sflag:$0x6] =	stream.indirect_vreg.gather [hbm4b:s4+s3], $0x80, v3, vm0, $0xb8;
	[tilespmem:$0x18200] =	vst v63  }
0x64: {  	s2 =	simm.s32 $0x8A00  }
0x65: {  	[tilespmem:s2], [sflag:$0x6] =	stream.indirect_vreg.gather [hbm4b:s5+s3], $0x80, v3, vm0, $0xb8;
	[tilespmem:$0x18200] =	vst v63  }
0x66: {  	v3 =	vld [tilespmem:$0x90];
	_ =	sdelay $0x4  }
0x67: {  	v51 =	vshrl.u32 v3, $0x3  }
0x68: {  	v4 =	vmul.u32 $0x30, v51  }
0x69: {  	v3 =	vand.u32 $0x7, v3  }
0x6a: {  	v3 =	vor.u32 v3, v4  }
0x6b: {  	v4 =	vperm.xlane v3, v0;
	_ =	sdelay $0x1  }
0x6c: {  	v4 =	vadd.s32 v1, v4;
	_ =	sdelay $0x3  }
0x6d: {  	s6 =	simm.s32 $0x9200;
	v3 =	vperm.xlane v3, v2  }
0x6e: {  	[tilespmem:s6], [sflag:$0x6] =	stream.indirect_vreg.gather [hbm4b:s1+s3], $0x80, v4, vm0, $0xb8;
	[tilespmem:$0x18200] =	vst v63  }
0x6f: {  	s2 =	simm.s32 $0x9A00;
	v3 =	vadd.s32 v1, v3  }
0x70: {  	[tilespmem:s2], [sflag:$0x6] =	stream.indirect_vreg.gather [hbm4b:s4+s3], $0x80, v4, vm0, $0xb8;
	[tilespmem:$0x18200] =	vst v63  }
0x71: {  	_ = 	snop  }
0x72: {  	[tilespmem:s31], [sflag:$0x6] =	stream.indirect_vreg.gather [hbm4b:s5+s3], $0x80, v4, vm0, $0xb8;
	[tilespmem:$0x18200] =	vst v63  }
0x73: {  	s6 =	simm.s32 $0xAA00  }
0x74: {  	[tilespmem:s6], [sflag:$0x6] =	stream.indirect_vreg.gather [hbm4b:s1+s3], $0x80, v3, vm0, $0xb8;
	[tilespmem:$0x18200] =	vst v63  }
0x75: {  	s2 =	simm.s32 $0xB200  }
0x76: {  	[tilespmem:s2], [sflag:$0x6] =	stream.indirect_vreg.gather [hbm4b:s4+s3], $0x80, v3, vm0, $0xb8;
	[tilespmem:$0x18200] =	vst v63  }
0x77: {  	s6 =	simm.s32 $0xBA00  }
0x78: {  	[tilespmem:s6], [sflag:$0x6] =	stream.indirect_vreg.gather [hbm4b:s5+s3], $0x80, v3, vm0, $0xb8;
	[tilespmem:$0x18200] =	vst v63  }
0x79: {  	s6 =	simm.s32 $0x3  }
0x7a: {  	_ =	swait.ge [sflag:s6], $0x20  }
0x7b: {  	[sflag:s6] =	ssyncset.done $0x0  }
0x7c: {  	[sflag:s6] =	ssyncadd.s32 $0xFFFFFFE0  }
0x7d: {  	v3 =	vld [tilespmem:$0x100];
	_ =	sdelay $0x4  }
0x7e: {  	v52 =	vshrl.u32 v3, $0x3  }
0x7f: {  	v4 =	vmul.u32 $0x30, v52  }
0x80: {  	v3 =	vand.u32 $0x7, v3  }
0x81: {  	v3 =	vor.u32 v3, v4  }
0x82: {  	v4 =	vperm.xlane v3, v0;
	_ =	sdelay $0x1  }
0x83: {  	v4 =	vadd.s32 v1, v4;
	_ =	sdelay $0x3  }
0x84: {  	v3 =	vperm.xlane v3, v2  }
0x85: {  	[tilespmem:s10], [sflag:$0x7] =	stream.indirect_vreg.gather [hbm4b:s1+s3], $0x80, v4, vm0, $0xb8;
	[tilespmem:$0x18200] =	vst v63  }
0x86: {  	s2 =	simm.s32 $0xCA00;
	v3 =	vadd.s32 v1, v3  }
0x87: {  	[tilespmem:s2], [sflag:$0x7] =	stream.indirect_vreg.gather [hbm4b:s4+s3], $0x80, v4, vm0, $0xb8;
	[tilespmem:$0x18200] =	vst v63  }
0x88: {  	s2 =	simm.s32 $0xD200  }
0x89: {  	[tilespmem:s2], [sflag:$0x7] =	stream.indirect_vreg.gather [hbm4b:s5+s3], $0x80, v4, vm0, $0xb8;
	[tilespmem:$0x18200] =	vst v63  }
0x8a: {  	s2 =	simm.s32 $0xDA00  }
0x8b: {  	[tilespmem:s2], [sflag:$0x7] =	stream.indirect_vreg.gather [hbm4b:s1+s3], $0x80, v3, vm0, $0xb8;
	[tilespmem:$0x18200] =	vst v63  }
0x8c: {  	s2 =	simm.s32 $0xE200  }
0x8d: {  	[tilespmem:s2], [sflag:$0x7] =	stream.indirect_vreg.gather [hbm4b:s4+s3], $0x80, v3, vm0, $0xb8;
	[tilespmem:$0x18200] =	vst v63  }
0x8e: {  	s2 =	simm.s32 $0xEA00  }
0x8f: {  	[tilespmem:s2], [sflag:$0x7] =	stream.indirect_vreg.gather [hbm4b:s5+s3], $0x80, v3, vm0, $0xb8;
	[tilespmem:$0x18200] =	vst v63  }
0x90: {  	v3 =	vld [tilespmem:$0x110];
	_ =	sdelay $0x4  }
0x91: {  	v53 =	vshrl.u32 v3, $0x3  }
0x92: {  	v4 =	vmul.u32 $0x30, v53  }
0x93: {  	v3 =	vand.u32 $0x7, v3  }
0x94: {  	v3 =	vor.u32 v3, v4  }
0x95: {  	v4 =	vperm.xlane v3, v0;
	_ =	sdelay $0x1  }
0x96: {  	v4 =	vadd.s32 v1, v4;
	_ =	sdelay $0x3  }
0x97: {  	s2 =	simm.s32 $0xF200;
	v3 =	vperm.xlane v3, v2  }
0x98: {  	[tilespmem:s2], [sflag:$0x7] =	stream.indirect_vreg.gather [hbm4b:s1+s3], $0x80, v4, vm0, $0xb8;
	[tilespmem:$0x18200] =	vst v63  }
0x99: {  	v3 =	vadd.s32 v1, v3;
	s2 =	simm.s32 $0xFA00  }
0x9a: {  	[tilespmem:s2], [sflag:$0x7] =	stream.indirect_vreg.gather [hbm4b:s4+s3], $0x80, v4, vm0, $0xb8;
	[tilespmem:$0x18200] =	vst v63  }
0x9b: {  	s2 =	simm.s32 $0x10200  }
0x9c: {  	[tilespmem:s2], [sflag:$0x7] =	stream.indirect_vreg.gather [hbm4b:s5+s3], $0x80, v4, vm0, $0xb8;
	[tilespmem:$0x18200] =	vst v63  }
0x9d: {  	s2 =	simm.s32 $0x10A00  }
0x9e: {  	[tilespmem:s2], [sflag:$0x7] =	stream.indirect_vreg.gather [hbm4b:s1+s3], $0x80, v3, vm0, $0xb8;
	[tilespmem:$0x18200] =	vst v63  }
0x9f: {  	s2 =	simm.s32 $0x11200  }
0xa0: {  	[tilespmem:s2], [sflag:$0x7] =	stream.indirect_vreg.gather [hbm4b:s4+s3], $0x80, v3, vm0, $0xb8;
	[tilespmem:$0x18200] =	vst v63  }
0xa1: {  	s2 =	simm.s32 $0x11A00  }
0xa2: {  	[tilespmem:s2], [sflag:$0x7] =	stream.indirect_vreg.gather [hbm4b:s5+s3], $0x80, v3, vm0, $0xb8;
	[tilespmem:$0x18200] =	vst v63  }
0xa3: {  	_ =	swait.ge [sflag:s7], $0x6000  }
0xa4: {  	[sflag:s7] =	ssyncset.done $0x0  }
0xa5: {  	s0 =	rddreg [dreg:$0x8];
	[sflag:s7] =	ssyncadd.s32 $0xFFFFA000  }
0xa6: {  	[tilespmem:s3], [sflag:$0x1] =	stream.linear.gather [hbm4b:s0+s3], $0x20, $0x38;
	[tilespmem:$0x18200] =	vst v63  }
0xa7: {  	s2 =	rddreg [dreg:$0x9]  }
0xa8: {  	[hbm4b:s2+s3] =	stream.linear.scatter [tilespmem:s24], [sflag:$0x9], $0x6000, $0x38;
	[tilespmem:$0x18200] =	vst v63  }
0xa9: {  	_ =	swait.ge [sflag:s19], $0x20  }
0xaa: {  	[sflag:s19] =	ssyncset.done $0x0  }
0xab: {  	[sflag:s19] =	ssyncadd.s32 $0xFFFFFFE0  }
0xac: {  	v3 =	vld [tilespmem:$0x180];
	_ =	sdelay $0x4  }
0xad: {  	v54 =	vshrl.u32 v3, $0x3  }
0xae: {  	v4 =	vmul.u32 $0x30, v54  }
0xaf: {  	v3 =	vand.u32 $0x7, v3  }
0xb0: {  	v3 =	vor.u32 v3, v4  }
0xb1: {  	v4 =	vperm.xlane v3, v0;
	_ =	sdelay $0x1  }
0xb2: {  	v4 =	vadd.s32 v1, v4;
	_ =	sdelay $0x3  }
0xb3: {  	v3 =	vperm.xlane v3, v2  }
0xb4: {  	[tilespmem:s9], [sflag:$0x8] =	stream.indirect_vreg.gather [hbm4b:s1+s3], $0x80, v4, vm0, $0xb8;
	[tilespmem:$0x18200] =	vst v63  }
0xb5: {  	s2 =	simm.s32 $0x12A00;
	v3 =	vadd.s32 v1, v3  }
0xb6: {  	[tilespmem:s2], [sflag:$0x8] =	stream.indirect_vreg.gather [hbm4b:s4+s3], $0x80, v4, vm0, $0xb8;
	[tilespmem:$0x18200] =	vst v63  }
0xb7: {  	s2 =	simm.s32 $0x13200  }
0xb8: {  	[tilespmem:s2], [sflag:$0x8] =	stream.indirect_vreg.gather [hbm4b:s5+s3], $0x80, v4, vm0, $0xb8;
	[tilespmem:$0x18200] =	vst v63  }
0xb9: {  	s2 =	simm.s32 $0x13A00  }
0xba: {  	[tilespmem:s2], [sflag:$0x8] =	stream.indirect_vreg.gather [hbm4b:s1+s3], $0x80, v3, vm0, $0xb8;
	[tilespmem:$0x18200] =	vst v63  }
0xbb: {  	s2 =	simm.s32 $0x14200  }
0xbc: {  	[tilespmem:s2], [sflag:$0x8] =	stream.indirect_vreg.gather [hbm4b:s4+s3], $0x80, v3, vm0, $0xb8;
	[tilespmem:$0x18200] =	vst v63  }
0xbd: {  	s2 =	simm.s32 $0x14A00  }
0xbe: {  	[tilespmem:s2], [sflag:$0x8] =	stream.indirect_vreg.gather [hbm4b:s5+s3], $0x80, v3, vm0, $0xb8;
	[tilespmem:$0x18200] =	vst v63  }
0xbf: {  	v3 =	vld [tilespmem:$0x190];
	_ =	sdelay $0x4  }
0xc0: {  	v55 =	vshrl.u32 v3, $0x3  }
0xc1: {  	v4 =	vmul.u32 $0x30, v55  }
0xc2: {  	v3 =	vand.u32 $0x7, v3  }
0xc3: {  	v3 =	vor.u32 v3, v4  }
0xc4: {  	v4 =	vperm.xlane v3, v0;
	_ =	sdelay $0x1  }
0xc5: {  	v4 =	vadd.s32 v1, v4;
	_ =	sdelay $0x3  }
0xc6: {  	s2 =	simm.s32 $0x15200;
	v3 =	vperm.xlane v3, v2  }
0xc7: {  	[tilespmem:s2], [sflag:$0x8] =	stream.indirect_vreg.gather [hbm4b:s1+s3], $0x80, v4, vm0, $0xb8;
	[tilespmem:$0x18200] =	vst v63  }
0xc8: {  	v3 =	vadd.s32 v1, v3;
	s2 =	simm.s32 $0x15A00  }
0xc9: {  	[tilespmem:s2], [sflag:$0x8] =	stream.indirect_vreg.gather [hbm4b:s4+s3], $0x80, v4, vm0, $0xb8;
	[tilespmem:$0x18200] =	vst v63  }
0xca: {  	s2 =	simm.s32 $0x16200  }
0xcb: {  	[tilespmem:s2], [sflag:$0x8] =	stream.indirect_vreg.gather [hbm4b:s5+s3], $0x80, v4, vm0, $0xb8;
	[tilespmem:$0x18200] =	vst v63  }
0xcc: {  	s2 =	simm.s32 $0x16A00  }
0xcd: {  	[tilespmem:s2], [sflag:$0x8] =	stream.indirect_vreg.gather [hbm4b:s1+s3], $0x80, v3, vm0, $0xb8;
	[tilespmem:$0x18200] =	vst v63  }
0xce: {  	s2 =	simm.s32 $0x17200  }
0xcf: {  	[tilespmem:s2], [sflag:$0x8] =	stream.indirect_vreg.gather [hbm4b:s4+s3], $0x80, v3, vm0, $0xb8;
	[tilespmem:$0x18200] =	vst v63  }
0xd0: {  	s2 =	simm.s32 $0x17A00  }
0xd1: {  	[tilespmem:s2], [sflag:$0x8] =	stream.indirect_vreg.gather [hbm4b:s5+s3], $0x80, v3, vm0, $0xb8;
	[tilespmem:$0x18200] =	vst v63  }
0xd2: {  	_ =	swait.ge [sflag:s8], $0x6000  }
0xd3: {  	[sflag:s8] =	ssyncset.done $0x0  }
0xd4: {  	s0 =	rddreg [dreg:$0xa];
	[sflag:s8] =	ssyncadd.s32 $0xFFFFA000  }
0xd5: {  	[tilespmem:s11], [sflag:$0x2] =	stream.linear.gather [hbm4b:s0+s3], $0x20, $0x38;
	[tilespmem:$0x18200] =	vst v63  }
0xd6: {  	s2 =	rddreg [dreg:$0xb]  }
0xd7: {  	[hbm4b:s2+s3] =	stream.linear.scatter [tilespmem:s28], [sflag:$0xA], $0x6000, $0x38;
	[tilespmem:$0x18200] =	vst v63  }
0xd8: {  	_ =	swait.ge [sflag:s23], $0x20  }
0xd9: {  	[sflag:s23] =	ssyncset.done $0x0  }
0xda: {  	s11 =	simm.s32 $0x9;
	[sflag:s23] =	ssyncadd.s32 $0xFFFFFFE0  }
0xdb: {  	_ =	swait.ge [sflag:s11], $0x6000  }
0xdc: {  	[sflag:s11] =	ssyncset.done $0x0  }
0xdd: {  	[sflag:s11] =	ssyncadd.s32 $0xFFFFA000  }
0xde: {  	v3 =	vld [tilespmem:$0x0];
	_ =	sdelay $0x4  }
0xdf: {  	v56 =	vshrl.u32 v3, $0x3  }
0xe0: {  	v4 =	vmul.u32 $0x30, v56  }
0xe1: {  	v3 =	vand.u32 $0x7, v3  }
0xe2: {  	v3 =	vor.u32 v3, v4  }
0xe3: {  	v4 =	vperm.xlane v3, v0;
	_ =	sdelay $0x1  }
0xe4: {  	v4 =	vadd.s32 v1, v4;
	_ =	sdelay $0x3  }
0xe5: {  	v3 =	vperm.xlane v3, v2  }
0xe6: {  	[tilespmem:s24], [sflag:$0x5] =	stream.indirect_vreg.gather [hbm4b:s1+s3], $0x80, v4, vm0, $0xb8;
	[tilespmem:$0x18200] =	vst v63  }
0xe7: {  	v3 =	vadd.s32 v1, v3  }
0xe8: {  	[tilespmem:s14], [sflag:$0x5] =	stream.indirect_vreg.gather [hbm4b:s4+s3], $0x80, v4, vm0, $0xb8;
	[tilespmem:$0x18200] =	vst v63  }
0xe9: {  	_ = 	snop  }
0xea: {  	[tilespmem:s15], [sflag:$0x5] =	stream.indirect_vreg.gather [hbm4b:s5+s3], $0x80, v4, vm0, $0xb8;
	[tilespmem:$0x18200] =	vst v63  }
0xeb: {  	_ = 	snop  }
0xec: {  	[tilespmem:s16], [sflag:$0x5] =	stream.indirect_vreg.gather [hbm4b:s1+s3], $0x80, v3, vm0, $0xb8;
	[tilespmem:$0x18200] =	vst v63  }
0xed: {  	_ = 	snop  }
0xee: {  	[tilespmem:s17], [sflag:$0x5] =	stream.indirect_vreg.gather [hbm4b:s4+s3], $0x80, v3, vm0, $0xb8;
	[tilespmem:$0x18200] =	vst v63  }
0xef: {  	_ = 	snop  }
0xf0: {  	[tilespmem:s18], [sflag:$0x5] =	stream.indirect_vreg.gather [hbm4b:s5+s3], $0x80, v3, vm0, $0xb8;
	[tilespmem:$0x18200] =	vst v63  }
0xf1: {  	v3 =	vld [tilespmem:$0x10];
	_ =	sdelay $0x4  }
0xf2: {  	v57 =	vshrl.u32 v3, $0x3  }
0xf3: {  	v4 =	vmul.u32 $0x30, v57  }
0xf4: {  	v3 =	vand.u32 $0x7, v3  }
0xf5: {  	v3 =	vor.u32 v3, v4  }
0xf6: {  	v4 =	vperm.xlane v3, v0;
	_ =	sdelay $0x1  }
0xf7: {  	v4 =	vadd.s32 v1, v4;
	_ =	sdelay $0x3  }
0xf8: {  	v3 =	vperm.xlane v3, v2  }
0xf9: {  	[tilespmem:s26], [sflag:$0x5] =	stream.indirect_vreg.gather [hbm4b:s1+s3], $0x80, v4, vm0, $0xb8;
	[tilespmem:$0x18200] =	vst v63  }
0xfa: {  	v3 =	vadd.s32 v1, v3  }
0xfb: {  	[tilespmem:s13], [sflag:$0x5] =	stream.indirect_vreg.gather [hbm4b:s4+s3], $0x80, v4, vm0, $0xb8;
	[tilespmem:$0x18200] =	vst v63  }
0xfc: {  	_ = 	snop  }
0xfd: {  	[tilespmem:s30], [sflag:$0x5] =	stream.indirect_vreg.gather [hbm4b:s5+s3], $0x80, v4, vm0, $0xb8;
	[tilespmem:$0x18200] =	vst v63  }
0xfe: {  	_ = 	snop  }
0xff: {  	[tilespmem:s25], [sflag:$0x5] =	stream.indirect_vreg.gather [hbm4b:s1+s3], $0x80, v3, vm0, $0xb8;
	[tilespmem:$0x18200] =	vst v63  }
0x100: {  	_ = 	snop  }
0x101: {  	[tilespmem:s21], [sflag:$0x5] =	stream.indirect_vreg.gather [hbm4b:s4+s3], $0x80, v3, vm0, $0xb8;
	[tilespmem:$0x18200] =	vst v63  }
0x102: {  	s13 =	simm.s32 $0x7  }
0x103: {  	[tilespmem:s20], [sflag:$0x5] =	stream.indirect_vreg.gather [hbm4b:s5+s3], $0x80, v3, vm0, $0xb8;
	[tilespmem:$0x18200] =	vst v63  }
0x104: {  	_ =	swait.ge [sflag:s13], $0x6000  }
0x105: {  	[sflag:s13] =	ssyncset.done $0x0  }
0x106: {  	s15 =	simm.s32 $0x100;
	s14 =	rddreg [dreg:$0xc];
	[sflag:s13] =	ssyncadd.s32 $0xFFFFA000  }
0x107: {  	[tilespmem:s15], [sflag:$0x3] =	stream.linear.gather [hbm4b:s14+s3], $0x20, $0x38;
	[tilespmem:$0x18200] =	vst v63  }
0x108: {  	s2 =	rddreg [dreg:$0xd]  }
0x109: {  	[hbm4b:s2+s3] =	stream.linear.scatter [tilespmem:s10], [sflag:$0xB], $0x6000, $0x38;
	[tilespmem:$0x18200] =	vst v63  }
0x10a: {  	_ =	swait.ge [sflag:s12], $0x20  }
0x10b: {  	[sflag:s12] =	ssyncset.done $0x0  }
0x10c: {  	[sflag:s12] =	ssyncadd.s32 $0xFFFFFFE0;
	s12 =	simm.s32 $0xA  }
0x10d: {  	_ =	swait.ge [sflag:s12], $0x6000  }
0x10e: {  	[sflag:s12] =	ssyncset.done $0x0  }
0x10f: {  	[sflag:s12] =	ssyncadd.s32 $0xFFFFA000  }
0x110: {  	v3 =	vld [tilespmem:$0x80];
	_ =	sdelay $0x4  }
0x111: {  	v58 =	vshrl.u32 v3, $0x3  }
0x112: {  	v4 =	vmul.u32 $0x30, v58  }
0x113: {  	v3 =	vand.u32 $0x7, v3  }
0x114: {  	v3 =	vor.u32 v3, v4  }
0x115: {  	v4 =	vperm.xlane v3, v0;
	_ =	sdelay $0x1  }
0x116: {  	v4 =	vadd.s32 v1, v4;
	_ =	sdelay $0x3  }
0x117: {  	v3 =	vperm.xlane v3, v2  }
0x118: {  	[tilespmem:s28], [sflag:$0x6] =	stream.indirect_vreg.gather [hbm4b:s1+s3], $0x80, v4, vm0, $0xb8;
	[tilespmem:$0x18200] =	vst v63  }
0x119: {  	v3 =	vadd.s32 v1, v3  }
0x11a: {  	[tilespmem:s29], [sflag:$0x6] =	stream.indirect_vreg.gather [hbm4b:s4+s3], $0x80, v4, vm0, $0xb8;
	[tilespmem:$0x18200] =	vst v63  }
0x11b: {  	s15 =	simm.s32 $0x7200  }
0x11c: {  	[tilespmem:s15], [sflag:$0x6] =	stream.indirect_vreg.gather [hbm4b:s5+s3], $0x80, v4, vm0, $0xb8;
	[tilespmem:$0x18200] =	vst v63  }
0x11d: {  	s2 =	simm.s32 $0x7A00  }
0x11e: {  	[tilespmem:s2], [sflag:$0x6] =	stream.indirect_vreg.gather [hbm4b:s1+s3], $0x80, v3, vm0, $0xb8;
	[tilespmem:$0x18200] =	vst v63  }
0x11f: {  	s14 =	simm.s32 $0x8200  }
0x120: {  	[tilespmem:s14], [sflag:$0x6] =	stream.indirect_vreg.gather [hbm4b:s4+s3], $0x80, v3, vm0, $0xb8;
	[tilespmem:$0x18200] =	vst v63  }
0x121: {  	s15 =	simm.s32 $0x8A00  }
0x122: {  	[tilespmem:s15], [sflag:$0x6] =	stream.indirect_vreg.gather [hbm4b:s5+s3], $0x80, v3, vm0, $0xb8;
	[tilespmem:$0x18200] =	vst v63  }
0x123: {  	v3 =	vld [tilespmem:$0x90];
	_ =	sdelay $0x4  }
0x124: {  	v59 =	vshrl.u32 v3, $0x3  }
0x125: {  	v4 =	vmul.u32 $0x30, v59  }
0x126: {  	v3 =	vand.u32 $0x7, v3  }
0x127: {  	v3 =	vor.u32 v3, v4  }
0x128: {  	v4 =	vperm.xlane v3, v0;
	_ =	sdelay $0x1  }
0x129: {  	v4 =	vadd.s32 v1, v4;
	_ =	sdelay $0x3  }
0x12a: {  	s2 =	simm.s32 $0x9200;
	v3 =	vperm.xlane v3, v2  }
0x12b: {  	[tilespmem:s2], [sflag:$0x6] =	stream.indirect_vreg.gather [hbm4b:s1+s3], $0x80, v4, vm0, $0xb8;
	[tilespmem:$0x18200] =	vst v63  }
0x12c: {  	s14 =	simm.s32 $0x9A00;
	v3 =	vadd.s32 v1, v3  }
0x12d: {  	[tilespmem:s14], [sflag:$0x6] =	stream.indirect_vreg.gather [hbm4b:s4+s3], $0x80, v4, vm0, $0xb8;
	[tilespmem:$0x18200] =	vst v63  }
0x12e: {  	_ = 	snop  }
0x12f: {  	[tilespmem:s31], [sflag:$0x6] =	stream.indirect_vreg.gather [hbm4b:s5+s3], $0x80, v4, vm0, $0xb8;
	[tilespmem:$0x18200] =	vst v63  }
0x130: {  	s15 =	simm.s32 $0xAA00  }
0x131: {  	[tilespmem:s15], [sflag:$0x6] =	stream.indirect_vreg.gather [hbm4b:s1+s3], $0x80, v3, vm0, $0xb8;
	[tilespmem:$0x18200] =	vst v63  }
0x132: {  	s2 =	simm.s32 $0xB200  }
0x133: {  	[tilespmem:s2], [sflag:$0x6] =	stream.indirect_vreg.gather [hbm4b:s4+s3], $0x80, v3, vm0, $0xb8;
	[tilespmem:$0x18200] =	vst v63  }
0x134: {  	s14 =	simm.s32 $0xBA00  }
0x135: {  	[tilespmem:s14], [sflag:$0x6] =	stream.indirect_vreg.gather [hbm4b:s5+s3], $0x80, v3, vm0, $0xb8;
	[tilespmem:$0x18200] =	vst v63  }
0x136: {  	s14 =	simm.s32 $0x8  }
0x137: {  	_ =	swait.ge [sflag:s14], $0x6000  }
0x138: {  	[sflag:s14] =	ssyncset.done $0x0  }
0x139: {  	s15 =	simm.s32 $0x180;
	s0 =	rddreg [dreg:$0xe];
	[sflag:s14] =	ssyncadd.s32 $0xFFFFA000  }
0x13a: {  	[tilespmem:s15], [sflag:$0x4] =	stream.linear.gather [hbm4b:s0+s3], $0x20, $0x38;
	[tilespmem:$0x18200] =	vst v63  }
0x13b: {  	s2 =	rddreg [dreg:$0xf]  }
0x13c: {  	[hbm4b:s2+s3] =	stream.linear.scatter [tilespmem:s9], [sflag:$0xC], $0x6000, $0x38;
	[tilespmem:$0x18200] =	vst v63  }
0x13d: {  	_ =	swait.ge [sflag:s6], $0x20  }
0x13e: {  	[sflag:s6] =	ssyncset.done $0x0  }
0x13f: {  	s2 =	simm.s32 $0xB;
	[sflag:s6] =	ssyncadd.s32 $0xFFFFFFE0  }
0x140: {  	_ =	swait.ge [sflag:s2], $0x6000  }
0x141: {  	[sflag:s2] =	ssyncset.done $0x0  }
0x142: {  	[sflag:s2] =	ssyncadd.s32 $0xFFFFA000  }
0x143: {  	v3 =	vld [tilespmem:$0x100];
	_ =	sdelay $0x4  }
0x144: {  	v60 =	vshrl.u32 v3, $0x3  }
0x145: {  	v4 =	vmul.u32 $0x30, v60  }
0x146: {  	v3 =	vand.u32 $0x7, v3  }
0x147: {  	v3 =	vor.u32 v3, v4  }
0x148: {  	v4 =	vperm.xlane v3, v0;
	_ =	sdelay $0x1  }
0x149: {  	v4 =	vadd.s32 v1, v4;
	_ =	sdelay $0x3  }
0x14a: {  	v3 =	vperm.xlane v3, v2  }
0x14b: {  	[tilespmem:s10], [sflag:$0x7] =	stream.indirect_vreg.gather [hbm4b:s1+s3], $0x80, v4, vm0, $0xb8;
	[tilespmem:$0x18200] =	vst v63  }
0x14c: {  	s15 =	simm.s32 $0xCA00;
	v3 =	vadd.s32 v1, v3  }
0x14d: {  	[tilespmem:s15], [sflag:$0x7] =	stream.indirect_vreg.gather [hbm4b:s4+s3], $0x80, v4, vm0, $0xb8;
	[tilespmem:$0x18200] =	vst v63  }
0x14e: {  	s6 =	simm.s32 $0xD200  }
0x14f: {  	[tilespmem:s6], [sflag:$0x7] =	stream.indirect_vreg.gather [hbm4b:s5+s3], $0x80, v4, vm0, $0xb8;
	[tilespmem:$0x18200] =	vst v63  }
0x150: {  	s15 =	simm.s32 $0xDA00  }
0x151: {  	[tilespmem:s15], [sflag:$0x7] =	stream.indirect_vreg.gather [hbm4b:s1+s3], $0x80, v3, vm0, $0xb8;
	[tilespmem:$0x18200] =	vst v63  }
0x152: {  	s6 =	simm.s32 $0xE200  }
0x153: {  	[tilespmem:s6], [sflag:$0x7] =	stream.indirect_vreg.gather [hbm4b:s4+s3], $0x80, v3, vm0, $0xb8;
	[tilespmem:$0x18200] =	vst v63  }
0x154: {  	s15 =	simm.s32 $0xEA00  }
0x155: {  	[tilespmem:s15], [sflag:$0x7] =	stream.indirect_vreg.gather [hbm4b:s5+s3], $0x80, v3, vm0, $0xb8;
	[tilespmem:$0x18200] =	vst v63  }
0x156: {  	v3 =	vld [tilespmem:$0x110];
	_ =	sdelay $0x4  }
0x157: {  	v61 =	vshrl.u32 v3, $0x3  }
0x158: {  	v4 =	vmul.u32 $0x30, v61  }
0x159: {  	v3 =	vand.u32 $0x7, v3  }
0x15a: {  	v3 =	vor.u32 v3, v4  }
0x15b: {  	v4 =	vperm.xlane v3, v0;
	_ =	sdelay $0x1  }
0x15c: {  	v4 =	vadd.s32 v1, v4;
	_ =	sdelay $0x3  }
0x15d: {  	s6 =	simm.s32 $0xF200;
	v3 =	vperm.xlane v3, v2  }
0x15e: {  	[tilespmem:s6], [sflag:$0x7] =	stream.indirect_vreg.gather [hbm4b:s1+s3], $0x80, v4, vm0, $0xb8;
	[tilespmem:$0x18200] =	vst v63  }
0x15f: {  	s15 =	simm.s32 $0xFA00;
	v3 =	vadd.s32 v1, v3  }
0x160: {  	[tilespmem:s15], [sflag:$0x7] =	stream.indirect_vreg.gather [hbm4b:s4+s3], $0x80, v4, vm0, $0xb8;
	[tilespmem:$0x18200] =	vst v63  }
0x161: {  	s6 =	simm.s32 $0x10200  }
0x162: {  	[tilespmem:s6], [sflag:$0x7] =	stream.indirect_vreg.gather [hbm4b:s5+s3], $0x80, v4, vm0, $0xb8;
	[tilespmem:$0x18200] =	vst v63  }
0x163: {  	s15 =	simm.s32 $0x10A00  }
0x164: {  	[tilespmem:s15], [sflag:$0x7] =	stream.indirect_vreg.gather [hbm4b:s1+s3], $0x80, v3, vm0, $0xb8;
	[tilespmem:$0x18200] =	vst v63  }
0x165: {  	s6 =	simm.s32 $0x11200  }
0x166: {  	[tilespmem:s6], [sflag:$0x7] =	stream.indirect_vreg.gather [hbm4b:s4+s3], $0x80, v3, vm0, $0xb8;
	[tilespmem:$0x18200] =	vst v63  }
0x167: {  	s15 =	simm.s32 $0x11A00  }
0x168: {  	[tilespmem:s15], [sflag:$0x7] =	stream.indirect_vreg.gather [hbm4b:s5+s3], $0x80, v3, vm0, $0xb8;
	[tilespmem:$0x18200] =	vst v63  }
0x169: {  	_ =	swait.ge [sflag:s7], $0x6000  }
0x16a: {  	[sflag:s7] =	ssyncset.done $0x0  }
0x16b: {  	s6 =	rddreg [dreg:$0x10];
	[sflag:s7] =	ssyncadd.s32 $0xFFFFA000  }
0x16c: {  	[hbm4b:s6+s3] =	stream.linear.scatter [tilespmem:s24], [sflag:$0x9], $0x6000, $0x38;
	[tilespmem:$0x18200] =	vst v63  }
0x16d: {  	_ =	swait.ge [sflag:s19], $0x20  }
0x16e: {  	[sflag:s19] =	ssyncset.done $0x0  }
0x16f: {  	s6 =	simm.s32 $0xC;
	[sflag:s19] =	ssyncadd.s32 $0xFFFFFFE0  }
0x170: {  	_ =	swait.ge [sflag:s6], $0x6000  }
0x171: {  	[sflag:s6] =	ssyncset.done $0x0  }
0x172: {  	[sflag:s6] =	ssyncadd.s32 $0xFFFFA000  }
0x173: {  	v3 =	vld [tilespmem:$0x180];
	_ =	sdelay $0x4  }
0x174: {  	v62 =	vshrl.u32 v3, $0x3  }
0x175: {  	v4 =	vmul.u32 $0x30, v62  }
0x176: {  	v3 =	vand.u32 $0x7, v3  }
0x177: {  	v3 =	vor.u32 v3, v4  }
0x178: {  	v4 =	vperm.xlane v3, v0;
	_ =	sdelay $0x1  }
0x179: {  	v4 =	vadd.s32 v1, v4;
	_ =	sdelay $0x3  }
0x17a: {  	v3 =	vperm.xlane v3, v2  }
0x17b: {  	[tilespmem:s9], [sflag:$0x8] =	stream.indirect_vreg.gather [hbm4b:s1+s3], $0x80, v4, vm0, $0xb8;
	[tilespmem:$0x18200] =	vst v63  }
0x17c: {  	s15 =	simm.s32 $0x12A00;
	v3 =	vadd.s32 v1, v3  }
0x17d: {  	[tilespmem:s15], [sflag:$0x8] =	stream.indirect_vreg.gather [hbm4b:s4+s3], $0x80, v4, vm0, $0xb8;
	[tilespmem:$0x18200] =	vst v63  }
0x17e: {  	s15 =	simm.s32 $0x13200  }
0x17f: {  	[tilespmem:s15], [sflag:$0x8] =	stream.indirect_vreg.gather [hbm4b:s5+s3], $0x80, v4, vm0, $0xb8;
	[tilespmem:$0x18200] =	vst v63  }
0x180: {  	s15 =	simm.s32 $0x13A00  }
0x181: {  	[tilespmem:s15], [sflag:$0x8] =	stream.indirect_vreg.gather [hbm4b:s1+s3], $0x80, v3, vm0, $0xb8;
	[tilespmem:$0x18200] =	vst v63  }
0x182: {  	s15 =	simm.s32 $0x14200  }
0x183: {  	[tilespmem:s15], [sflag:$0x8] =	stream.indirect_vreg.gather [hbm4b:s4+s3], $0x80, v3, vm0, $0xb8;
	[tilespmem:$0x18200] =	vst v63  }
0x184: {  	s15 =	simm.s32 $0x14A00  }
0x185: {  	[tilespmem:s15], [sflag:$0x8] =	stream.indirect_vreg.gather [hbm4b:s5+s3], $0x80, v3, vm0, $0xb8;
	[tilespmem:$0x18200] =	vst v63  }
0x186: {  	v3 =	vld [tilespmem:$0x190];
	_ =	sdelay $0x4  }
0x187: {  	v63 =	vshrl.u32 v3, $0x3  }
0x188: {  	v4 =	vmul.u32 $0x30, v63  }
0x189: {  	v3 =	vand.u32 $0x7, v3  }
0x18a: {  	v3 =	vor.u32 v3, v4  }
0x18b: {  	v4 =	vperm.xlane v3, v0;
	_ =	sdelay $0x1  }
0x18c: {  	v4 =	vadd.s32 v1, v4;
	_ =	sdelay $0x3  }
0x18d: {  	s15 =	simm.s32 $0x15200;
	v3 =	vperm.xlane v3, v2  }
0x18e: {  	[tilespmem:s15], [sflag:$0x8] =	stream.indirect_vreg.gather [hbm4b:s1+s3], $0x80, v4, vm0, $0xb8;
	[tilespmem:$0x18200] =	vst v63  }
0x18f: {  	v3 =	vadd.s32 v1, v3;
	s15 =	simm.s32 $0x15A00  }
0x190: {  	[tilespmem:s15], [sflag:$0x8] =	stream.indirect_vreg.gather [hbm4b:s4+s3], $0x80, v4, vm0, $0xb8;
	[tilespmem:$0x18200] =	vst v63  }
0x191: {  	s15 =	simm.s32 $0x16200  }
0x192: {  	[tilespmem:s15], [sflag:$0x8] =	stream.indirect_vreg.gather [hbm4b:s5+s3], $0x80, v4, vm0, $0xb8;
	[tilespmem:$0x18200] =	vst v63  }
0x193: {  	s15 =	simm.s32 $0x16A00  }
0x194: {  	[tilespmem:s15], [sflag:$0x8] =	stream.indirect_vreg.gather [hbm4b:s1+s3], $0x80, v3, vm0, $0xb8;
	[tilespmem:$0x18200] =	vst v63  }
0x195: {  	s15 =	simm.s32 $0x17200  }
0x196: {  	[tilespmem:s15], [sflag:$0x8] =	stream.indirect_vreg.gather [hbm4b:s4+s3], $0x80, v3, vm0, $0xb8;
	[tilespmem:$0x18200] =	vst v63  }
0x197: {  	s15 =	simm.s32 $0x17A00  }
0x198: {  	[tilespmem:s15], [sflag:$0x8] =	stream.indirect_vreg.gather [hbm4b:s5+s3], $0x80, v3, vm0, $0xb8;
	[tilespmem:$0x18200] =	vst v63  }
0x199: {  	_ =	swait.ge [sflag:s8], $0x6000  }
0x19a: {  	[sflag:s8] =	ssyncset.done $0x0  }
0x19b: {  	s15 =	rddreg [dreg:$0x11];
	[sflag:s8] =	ssyncadd.s32 $0xFFFFA000  }
0x19c: {  	[hbm4b:s15+s3] =	stream.linear.scatter [tilespmem:s28], [sflag:$0xA], $0x6000, $0x38;
	[tilespmem:$0x18200] =	vst v63  }
0x19d: {  	_ =	swait.ge [sflag:s13], $0x6000  }
0x19e: {  	[sflag:s13] =	ssyncset.done $0x0  }
0x19f: {  	s15 =	rddreg [dreg:$0x12];
	[sflag:s13] =	ssyncadd.s32 $0xFFFFA000  }
0x1a0: {  	[hbm4b:s15+s3] =	stream.linear.scatter [tilespmem:s10], [sflag:$0xB], $0x6000, $0x38;
	[tilespmem:$0x18200] =	vst v63  }
0x1a1: {  	_ =	swait.ge [sflag:s14], $0x6000  }
0x1a2: {  	[sflag:s14] =	ssyncset.done $0x0  }
0x1a3: {  	s15 =	rddreg [dreg:$0x13];
	[sflag:s14] =	ssyncadd.s32 $0xFFFFA000  }
0x1a4: {  	[hbm4b:s15+s3] =	stream.linear.scatter [tilespmem:s9], [sflag:$0xC], $0x6000, $0x38;
	[tilespmem:$0x18200] =	vst v63  }
0x1a5: {  	_ =	swait.ge [sflag:s11], $0x6000  }
0x1a6: {  	[sflag:s11] =	ssyncset.done $0x0  }
0x1a7: {  	[sflag:s11] =	ssyncadd.s32 $0xFFFFA000  }
0x1a8: {  	_ =	swait.ge [sflag:s12], $0x6000  }
0x1a9: {  	[sflag:s12] =	ssyncset.done $0x0  }
0x1aa: {  	[sflag:s12] =	ssyncadd.s32 $0xFFFFA000  }
0x1ab: {  	p0 =	sne.s32 s22, $0x1;
	_ =	swait.ge [sflag:s2], $0x6000  }
.Ltmp0:
0x1ac: {  	[sflag:s2] =	ssyncset.done $0x0;
	(pc) =	sbr.rel @p0 .LBB2_1-.Ltmp0, $4  }
0x1ad: {  	[sflag:s2] =	ssyncadd.s32 $0xFFFFA000  }
0x1ae: {  	_ =	swait.ge [sflag:s6], $0x6000  }
0x1af: {  	[sflag:s6] =	ssyncset.done $0x0  }
0x1b0: {  	s22 =	sadd.s32 $0xFFFFFFFF, s22;
	[sflag:s6] =	ssyncadd.s32 $0xFFFFA000  }
0x1b1: {  	_ =	sfence.sel $0x180000  }
0x1b2: {  	[bflag:$0x0] =	sbarrier.arrive $0xFFFF  }
0x1b3: {  	_ =	strace $0x90000047  }
0x1b4: {  	s0 =	stileid.u32;
	[bflag:$0x2] =	sbarrier.arrive $0xFFFF  }
0x1b5: {  	p0 =	sne.s32 s0, $0x0;
	s0 =	rddreg [dreg:$0x3]  }
0x1b6: {  	s0 =	sadd.s32 @!p0 $0x100000, s0  }
0x1b7: {  	[sflag:s0] =	ssyncadd.tile.s32 @!p0 $0x1;
	_ =	shalt  }
.Lfunc_end2:
_tile_overlayer_lowered:
.L_overlay_start_2:
0x1b8: {  	(tag) =	ssettag $0x2  }
0x1b9: {  	s0 =	rddreg [dreg:$0x0];
	s2 =	stileid.u32  }
0x1ba: {  	s1 =	rddreg [dreg:$0x1];
	p0 =	sne.s32 s2, $0x0  }
0x1bb: {  	s3 =	rddreg [dreg:$0x2];
	[bflag:$0x3] =	sbarrier.arrive $0xFFFF;
	s2 =	simm.s32 @!p0 $0x1C0D  }
0x1bc: {  	[timem:s3], [sflag:s2] =	dma.local @!p0 [hbm:s0], s1  }
0x1bd: {  	s0 =	simm.s32 @!p0 $0xD  }
0x1be: {  	_ =	swait.ge @!p0 [sflag:s0], s1  }
0x1bf: {  	s1 =	ssub.s32 @!p0 $0x0, s1;
	[sflag:s0] =	ssyncset.done @!p0 $0x0  }
0x1c0: {  	[sflag:s0] =	ssyncadd.s32 @!p0 s1  }
0x1c1: {  	[bflag:$0x3] =	sbarrier.arrive $0xFFFF  }
0x1c2: {  	_ =	shalt  }

</sc_bundles>
